<compile_context>
chip_gen: v7x
topology: tpu7x:2x2x1
jax: 0.10.2.dev20260603
libtpu: 0.0.44.dev20260713+nightly
codegen_flags: <defaults>
</compile_context>

<pallas_src>
import functools

import jax
import jax.numpy as jnp
from jax import lax
from jax.experimental import pallas as pl
from jax.experimental.pallas import tpu as pltpu
from jax.experimental.pallas import tpu_sc as plsc

M_ROWS = 250000
D = 128
N = M_ROWS * D
NC = 2
NS = 16
NW = NC * NS
CHUNK = 12800
NCHUNK_G = N // CHUNK
GROUPS = CHUNK // 16
WGROUPS = CHUNK // 64
MAXCH = 79
SRCW = CHUNK + 8
SPAD = SRCW + 16
CROW = 80
NSLOT = 3

_mesh = plsc.VectorSubcoreMesh(core_axis_name="c", subcore_axis_name="s")
_params = pltpu.CompilerParams(needs_layout_passes=False)


def _wid():
    return lax.axis_index("s") * NC + lax.axis_index("c")


def _assign(w):
    start = 78 * w + jnp.minimum(w, 4)
    n = jnp.where(w < 4, 79, 78)
    return start, n


def _bytesums(v):
    u = v + (v << 8)
    return u + (u << 16)


@functools.partial(
    pl.kernel,
    out_type=jax.ShapeDtypeStruct((NW * CROW,), jnp.int32),
    mesh=_mesh,
    compiler_params=_params,
    scratch_types=[
        pltpu.VMEM((CHUNK,), jnp.float32),
        pltpu.VMEM((CHUNK,), jnp.float32),
        pltpu.VMEM((CROW,), jnp.int32),
        pltpu.SemaphoreType.DMA,
        pltpu.SemaphoreType.DMA,
    ],
)
def _count_kernel(mk_hbm, counts_hbm, mb0, mb1, cbuf, sm0, sm1):
    w = _wid()
    start_c, n_w = _assign(w)
    mbufs = (mb0, mb1)
    sems = (sm0, sm1)
    zeros = jnp.zeros((16,), jnp.int32)
    lane = lax.iota(jnp.int32, 16)
    m0 = lane == 0
    for j in range(CROW // 16):
        cbuf[pl.ds(j * 16, 16)] = zeros

    def mask_copy(i, u):
        return pltpu.make_async_copy(
            mk_hbm.at[pl.ds((start_c + i) * CHUNK, CHUNK)], mbufs[u], sems[u])

    mask_copy(0, 0).start()

    def pair_body(p, _):
        for u in range(2):
            i = 2 * p + u

            @pl.when(i < n_w)
            def _():
                mask_copy(i, u).wait()

                @pl.when(i + 1 < n_w)
                def _():
                    mask_copy(i + 1, 1 - u).start()

                @plsc.parallel_loop(0, WGROUPS, unroll=2,
                                    carry=jnp.zeros((16,), jnp.float32))
                def acc(g, a):
                    m = mbufs[u]
                    v0 = m[pl.ds(g * 64, 16)]
                    v1 = m[pl.ds(g * 64 + 16, 16)]
                    v2 = m[pl.ds(g * 64 + 32, 16)]
                    v3 = m[pl.ds(g * 64 + 48, 16)]
                    return a + ((v0 + v1) + (v2 + v3))

                cnt = jnp.sum(acc).astype(jnp.int32)
                plsc.store_scatter(cbuf, [zeros + i], zeros + cnt, mask=m0)

        return 0

    lax.fori_loop(0, (MAXCH + 1) // 2, pair_body, 0)
    pltpu.sync_copy(cbuf, counts_hbm.at[pl.ds(w * CROW, CROW)])


@functools.partial(
    pl.kernel,
    out_type=jax.ShapeDtypeStruct((N,), jnp.float32),
    mesh=_mesh,
    compiler_params=_params,
    scratch_types=(
        [pltpu.VMEM((CHUNK,), jnp.float32) for _ in range(NSLOT)]
        + [pltpu.VMEM((CHUNK,), jnp.float32) for _ in range(NSLOT)]
        + [pltpu.VMEM((SPAD,), jnp.float32) for _ in range(NSLOT)]
        + [
            pltpu.VMEM((NW * CROW,), jnp.int32),
            pltpu.VMEM((96,), jnp.int32),
        ]
        + [pltpu.SemaphoreType.DMA for _ in range(3 * NSLOT)]
    ),
)
def _scatter_kernel(mf_hbm, x_hbm, src_hbm, counts_hbm, out_hbm,
                    mb0, mb1, mb2, ob0, ob1, ob2, sb0, sb1, sb2,
                    cbuf, bbuf,
                    si0, si1, si2, sx0, sx1, sx2, so0, so1, so2):
    mbufs = (mb0, mb1, mb2)
    obufs = (ob0, ob1, ob2)
    sbufs = (sb0, sb1, sb2)
    sem_in = (si0, si1, si2)
    sem_x = (sx0, sx1, sx2)
    sem_out = (so0, so1, so2)
    w = _wid()
    start_c, n_w = _assign(w)
    zeros = jnp.zeros((16,), jnp.int32)
    lane = lax.iota(jnp.int32, 16)

    pltpu.sync_copy(counts_hbm, cbuf)

    def sb_body(j, acc):
        return acc + cbuf[pl.ds(j * 16, 16)]

    shard_base = jnp.sum(
        lax.fori_loop(0, w * (CROW // 16), sb_body, zeros))

    def bb_body(j, carry_s):
        cvec = cbuf[pl.ds((w * (CROW // 16) + j) * 16, 16)]
        bbuf[pl.ds(j * 16, 16)] = plsc.cumsum(cvec) - cvec + carry_s
        return carry_s + jnp.sum(cvec)

    lax.fori_loop(0, CROW // 16, bb_body, shard_base)

    def chunk_base(i):
        return bbuf[pl.ds(i, 16)][0]

    def win_base(i):
        return pl.multiple_of(
            jnp.minimum(chunk_base(i) & -8, N - SRCW), 8)

    def in_copies(i, u):
        start = (start_c + i) * CHUNK
        m = pltpu.make_async_copy(
            mf_hbm.at[pl.ds(start, CHUNK)], mbufs[u], sem_in[u])
        s = pltpu.make_async_copy(
            src_hbm.at[pl.ds(win_base(i), SRCW)],
            sbufs[u].at[pl.ds(0, SRCW)], sem_in[u])
        xc = pltpu.make_async_copy(
            x_hbm.at[pl.ds(start, CHUNK)], obufs[u], sem_x[u])
        return m, s, xc

    def out_copy(i, u):
        start = (start_c + i) * CHUNK
        return pltpu.make_async_copy(
            obufs[u], out_hbm.at[pl.ds(start, CHUNK)], sem_out[u])

    def do_chunk(i, u):
        mbuf, obuf, sbuf = mbufs[u], obufs[u], sbufs[u]
        for c in in_copies(i, u):
            c.wait()

        nu = (u + 2) % NSLOT

        @pl.when(i + 2 < n_w)
        def _():
            @pl.when(i >= 1)
            def _():
                out_copy(i - 1, nu).wait()

            for c in in_copies(i + 2, nu):
                c.start()

        base_s = chunk_base(i)
        off0 = zeros + (base_s - win_base(i))

        @plsc.parallel_loop(0, GROUPS, unroll=4, carry=off0)
        def _(g, off):
            mk = mbuf[pl.ds(g * 16, 16)] != 0.0
            vals = plsc.load_expanded(sbuf.at[pl.ds(off[0], 16)], mask=mk)
            plsc.store_scatter(obuf, [lane + g * 16], vals, mask=mk)
            return off + plsc.all_reduce_population_count(mk)

        out_copy(i, u).start()

    for c in in_copies(0, 0) + in_copies(1, 1):
        c.start()

    def triple_body(p, _):
        for u in range(NSLOT):
            i = 3 * p + u

            @pl.when(i < n_w)
            def _():
                do_chunk(i, u)

        return 0

    lax.fori_loop(0, (MAXCH + NSLOT - 1) // NSLOT, triple_body, 0)
    for u in range(NSLOT):
        out_copy(0, u).wait()


def kernel(x, mask, src):
    xf = x.reshape(-1)
    sf = src.reshape(-1)
    mf = mask.astype(jnp.float32).reshape(-1)
    counts = _count_kernel(mf)
    outf = _scatter_kernel(mf, xf, sf, counts)
    return outf.reshape(x.shape)

# --- scband reference (transcript-rebuilt; emitter-appended) ---
"""Pipeline reference for scband-masked-scatter-inplace-50543175139912 (READ-ONLY COPY).

The authoritative reference and input builder live on the scoring server;
editing this copy changes nothing except your own understanding.
"""

import jax, jax.numpy as jnp
import numpy as np


def setup_inputs(seed: int = 0) -> dict:
    key = jax.random.key(seed)
    k1, k2, k3 = jax.random.split(key, 3)
    M, D = 250000, 128
    x = jax.random.normal(k1, (M, D), dtype=jnp.float32)
    mask = jax.random.randint(k2, (M, D), 0, 2).astype(jnp.bool_)
    src = jax.random.normal(k3, (M, D), dtype=jnp.float32)
    return {"x": x, "mask": mask, "src": src}


def reference(x, mask, src):
    # torch masked_scatter_ semantics: iterate over mask in row-major order;
    # for each True position, consume the next element of src (row-major).
    fm = mask.ravel()
    # idx[i] = number of True positions at or before i, minus 1 -> position in src stream
    idx = jnp.cumsum(fm.astype(jnp.int32)) - 1
    # gather the src element that would be written at each position (ignored where mask False)
    gathered = jnp.take(src.ravel(), idx, mode='clip')
    out = jnp.where(fm, gathered, x.ravel()).reshape(x.shape)
    return out

if __name__ == "__main__":
    import jax
    _d = setup_inputs()
    print(jax.jit(kernel)(*tuple(_d.values())))

</pallas_src>

<mosaic_0001>
#map = affine_map<(d0, d1) -> (0)>
module attributes {stable_mosaic.version = 14 : i64} {
  func.func @_count_kernel(%arg0: i32, %arg1: i32, %arg2: memref<32000000xf32, #tpu.memory_space<hbm>>, %arg3: memref<2560xi32, #tpu.memory_space<hbm>>, %arg4: memref<12800xf32, #tpu.memory_space<vmem>>, %arg5: memref<12800xf32, #tpu.memory_space<vmem>>, %arg6: memref<80xi32, #tpu.memory_space<vmem>>, %arg7: memref<!tpu.dma_semaphore, #tpu.memory_space<semaphore_mem>>, %arg8: memref<!tpu.dma_semaphore, #tpu.memory_space<semaphore_mem>>) attributes {dimension_semantics = [#tpu.dimension_semantics<core_parallel>, #tpu.dimension_semantics<subcore_parallel>], iteration_bounds = array<i64: 2, 16>, scalar_prefetch = 0 : i64, scratch_operands = 5 : i64, tpu.core_type = #tpu.core_type<sc_vector_subcore>, window_params = [{transform_indices = #map}, {transform_indices = #map}]} {
    %mul3A = arith.constant 2 : i32
    %mul3A_0 = arith.muli %arg1, %mul3A : i32
    %add3A = arith.addi %mul3A_0, %arg0 : i32
    %mul3A_1 = arith.constant 78 : i32
    %mul3A_2 = arith.muli %mul3A_1, %add3A : i32
    %min3A = arith.constant 4 : i32
    %min3A_3 = arith.minsi %add3A, %min3A : i32
    %add3A_4 = arith.addi %mul3A_2, %min3A_3 : i32
    %lt3A = arith.constant 4 : i32
    %lt3A_5 = arith.cmpi slt, %add3A, %lt3A : i32
    %jit3A = arith.constant 79 : i32
    %jit3A_6 = arith.constant 78 : i32
    %select_n3A = arith.select %lt3A_5, %jit3A, %jit3A_6 : i32
    %broadcast_in_dim3A = arith.constant 0 : i32
    %broadcast_in_dim3A_7 = vector.broadcast %broadcast_in_dim3A : i32 to vector<16xi32>
    %iota3A = tpu.iota {dimensions = array<i32: 0>} : vector<16xi32>
    %eq3A = arith.constant 0 : i32
    %eq3A_8 = vector.broadcast %eq3A : i32 to vector<16xi32>
    %eq3A_9 = arith.cmpi eq, %iota3A, %eq3A_8 : vector<16xi32>
    %swap3A = arith.constant 0 : index
    %swap3A_10 = tpu.vector_load %arg6[%swap3A] {strides = array<i32>} : memref<80xi32, #tpu.memory_space<vmem>>, vector<16xi32>,
    tpu.vector_store %arg6[%swap3A], %broadcast_in_dim3A_7 {strides = array<i32>} : memref<80xi32, #tpu.memory_space<vmem>>, vector<16xi32>,
    %swap3A_11 = arith.constant 16 : index
    %swap3A_12 = tpu.vector_load %arg6[%swap3A_11] {strides = array<i32>} : memref<80xi32, #tpu.memory_space<vmem>>, vector<16xi32>,
    tpu.vector_store %arg6[%swap3A_11], %broadcast_in_dim3A_7 {strides = array<i32>} : memref<80xi32, #tpu.memory_space<vmem>>, vector<16xi32>,
    %swap3A_13 = arith.constant 32 : index
    %swap3A_14 = tpu.vector_load %arg6[%swap3A_13] {strides = array<i32>} : memref<80xi32, #tpu.memory_space<vmem>>, vector<16xi32>,
    tpu.vector_store %arg6[%swap3A_13], %broadcast_in_dim3A_7 {strides = array<i32>} : memref<80xi32, #tpu.memory_space<vmem>>, vector<16xi32>,
    %swap3A_15 = arith.constant 48 : index
    %swap3A_16 = tpu.vector_load %arg6[%swap3A_15] {strides = array<i32>} : memref<80xi32, #tpu.memory_space<vmem>>, vector<16xi32>,
    tpu.vector_store %arg6[%swap3A_15], %broadcast_in_dim3A_7 {strides = array<i32>} : memref<80xi32, #tpu.memory_space<vmem>>, vector<16xi32>,
    %swap3A_17 = arith.constant 64 : index
    %swap3A_18 = tpu.vector_load %arg6[%swap3A_17] {strides = array<i32>} : memref<80xi32, #tpu.memory_space<vmem>>, vector<16xi32>,
    tpu.vector_store %arg6[%swap3A_17], %broadcast_in_dim3A_7 {strides = array<i32>} : memref<80xi32, #tpu.memory_space<vmem>>, vector<16xi32>,
    %add3A_19 = arith.constant 0 : i32
    %add3A_20 = arith.addi %add3A_4, %add3A_19 : i32
    %mul3A_21 = arith.constant 12800 : i32
    %mul3A_22 = arith.muli %add3A_20, %mul3A_21 : i32
    %dma_start3A = tpu.memref_slice %arg2[%mul3A_22] : memref<32000000xf32, #tpu.memory_space<hbm>> -> memref<12800xf32, #tpu.memory_space<hbm>>
    %dma_start3A_23 = tpu.memref_slice %arg2[%mul3A_22] : memref<32000000xf32, #tpu.memory_space<hbm>> -> memref<12800xf32, #tpu.memory_space<hbm>>
    tpu.enqueue_dma source(%dma_start3A_23 : memref<12800xf32, #tpu.memory_space<hbm>>) target(%arg4 : memref<12800xf32, #tpu.memory_space<vmem>>) target_semaphore(%arg7 : memref<!tpu.dma_semaphore, #tpu.memory_space<semaphore_mem>>)
    %scan3A = arith.constant 0 : i32
    %scan3A_24 = arith.constant 0 : i32
    %scan3A_25 = arith.constant 40 : i32
    %scan3A_26 = arith.addi %scan3A_24, %scan3A_25 : i32
    %scan3A_27 = arith.constant 1 : i32
    %scan3A_28 = scf.for %scan3A_32 = %scan3A_24 to %scan3A_26 step %scan3A_27 iter_args(%scan3A_33 = %scan3A) -> (i32)  : i32 {
      %mul3A_34 = arith.constant 2 : i32
      %mul3A_35 = arith.muli %mul3A_34, %scan3A_32 : i32
      %add3A_36 = arith.constant 0 : i32
      %add3A_37 = arith.addi %mul3A_35, %add3A_36 : i32
      %lt3A_38 = arith.cmpi slt, %add3A_37, %select_n3A : i32
      %convert_element_type3A = arith.extui %lt3A_38 : i1 to i32
      %cond3A = arith.constant 0 : i32
      %cond3A_39 = arith.cmpi ne, %convert_element_type3A, %cond3A : i32
      scf.if %cond3A_39 {
        %add3A_49 = arith.addi %add3A_4, %add3A_37 : i32
        %mul3A_50 = arith.constant 12800 : i32
        %mul3A_51 = arith.muli %add3A_49, %mul3A_50 : i32
        %dma_wait3A = tpu.memref_slice %arg2[%mul3A_51] : memref<32000000xf32, #tpu.memory_space<hbm>> -> memref<12800xf32, #tpu.memory_space<hbm>>
        %dma_wait3A_52 = tpu.memref_slice %arg2[%mul3A_51] : memref<32000000xf32, #tpu.memory_space<hbm>> -> memref<12800xf32, #tpu.memory_space<hbm>>
        tpu.wait_dma2 semaphore(%arg7 : memref<!tpu.dma_semaphore, #tpu.memory_space<semaphore_mem>>) src(%dma_wait3A_52 : memref<12800xf32, #tpu.memory_space<hbm>>) dst(%arg4 : memref<12800xf32, #tpu.memory_space<vmem>>)
        %add3A_53 = arith.constant 1 : i32
        %add3A_54 = arith.addi %add3A_37, %add3A_53 : i32
        %lt3A_55 = arith.cmpi slt, %add3A_54, %select_n3A : i32
        %convert_element_type3A_56 = arith.extui %lt3A_55 : i1 to i32
        %cond3A_57 = arith.constant 0 : i32
        %cond3A_58 = arith.cmpi ne, %convert_element_type3A_56, %cond3A_57 : i32
        scf.if %cond3A_58 {
          %add3A_72 = arith.constant 1 : i32
          %add3A_73 = arith.addi %add3A_37, %add3A_72 : i32
          %add3A_74 = arith.addi %add3A_4, %add3A_73 : i32
          %mul3A_75 = arith.constant 12800 : i32
          %mul3A_76 = arith.muli %add3A_74, %mul3A_75 : i32
          %dma_start3A_77 = tpu.memref_slice %arg2[%mul3A_76] : memref<32000000xf32, #tpu.memory_space<hbm>> -> memref<12800xf32, #tpu.memory_space<hbm>>
          %dma_start3A_78 = tpu.memref_slice %arg2[%mul3A_76] : memref<32000000xf32, #tpu.memory_space<hbm>> -> memref<12800xf32, #tpu.memory_space<hbm>>
          tpu.enqueue_dma source(%dma_start3A_78 : memref<12800xf32, #tpu.memory_space<hbm>>) target(%arg5 : memref<12800xf32, #tpu.memory_space<vmem>>) target_semaphore(%arg8 : memref<!tpu.dma_semaphore, #tpu.memory_space<semaphore_mem>>)
        } else {
        }
        %broadcast_in_dim3A_59 = arith.constant 0.000000e+00 : f32
        %broadcast_in_dim3A_60 = vector.broadcast %broadcast_in_dim3A_59 : f32 to vector<16xf32>
        %parallel_loop3A = arith.constant 0 : i32
        %parallel_loop3A_61 = arith.constant 200 : i32
        %parallel_loop3A_62 = arith.constant 1 : i32
        %parallel_loop3A_63 = scf.for %parallel_loop3A_72 = %parallel_loop3A to %parallel_loop3A_61 step %parallel_loop3A_62 iter_args(%parallel_loop3A_73 = %broadcast_in_dim3A_60) -> (vector<16xf32>)  : i32 {
          %parallel_loop3A_74 = arith.constant 64 : i32
          %parallel_loop3A_75 = arith.muli %parallel_loop3A_72, %parallel_loop3A_74 : i32
          %parallel_loop3A_76 = arith.index_cast %parallel_loop3A_75 : i32 to index
          %parallel_loop3A_77 = tpu.vector_load %arg4[%parallel_loop3A_76] {strides = array<i32>} : memref<12800xf32, #tpu.memory_space<vmem>>, vector<16xf32>,
          %parallel_loop3A_78 = arith.constant 64 : i32
          %parallel_loop3A_79 = arith.muli %parallel_loop3A_72, %parallel_loop3A_78 : i32
          %parallel_loop3A_80 = arith.constant 16 : i32
          %parallel_loop3A_81 = arith.addi %parallel_loop3A_79, %parallel_loop3A_80 : i32
          %parallel_loop3A_82 = arith.index_cast %parallel_loop3A_81 : i32 to index
          %parallel_loop3A_83 = tpu.vector_load %arg4[%parallel_loop3A_82] {strides = array<i32>} : memref<12800xf32, #tpu.memory_space<vmem>>, vector<16xf32>,
          %parallel_loop3A_84 = arith.constant 64 : i32
          %parallel_loop3A_85 = arith.muli %parallel_loop3A_72, %parallel_loop3A_84 : i32
          %parallel_loop3A_86 = arith.constant 32 : i32
          %parallel_loop3A_87 = arith.addi %parallel_loop3A_85, %parallel_loop3A_86 : i32
          %parallel_loop3A_88 = arith.index_cast %parallel_loop3A_87 : i32 to index
          %parallel_loop3A_89 = tpu.vector_load %arg4[%parallel_loop3A_88] {strides = array<i32>} : memref<12800xf32, #tpu.memory_space<vmem>>, vector<16xf32>,
          %parallel_loop3A_90 = arith.constant 64 : i32
          %parallel_loop3A_91 = arith.muli %parallel_loop3A_72, %parallel_loop3A_90 : i32
          %parallel_loop3A_92 = arith.constant 48 : i32
          %parallel_loop3A_93 = arith.addi %parallel_loop3A_91, %parallel_loop3A_92 : i32
          %parallel_loop3A_94 = arith.index_cast %parallel_loop3A_93 : i32 to index
          %parallel_loop3A_95 = tpu.vector_load %arg4[%parallel_loop3A_94] {strides = array<i32>} : memref<12800xf32, #tpu.memory_space<vmem>>, vector<16xf32>,
          %parallel_loop3A_96 = arith.addf %parallel_loop3A_77, %parallel_loop3A_83 : vector<16xf32>
          %parallel_loop3A_97 = arith.addf %parallel_loop3A_89, %parallel_loop3A_95 : vector<16xf32>
          %parallel_loop3A_98 = arith.addf %parallel_loop3A_96, %parallel_loop3A_97 : vector<16xf32>
          %parallel_loop3A_99 = arith.addf %parallel_loop3A_73, %parallel_loop3A_98 : vector<16xf32>
          scf.yield %parallel_loop3A_99 : vector<16xf32>
        } {sc.loop_unroll_factor = 2 : i64, sc.parallel_access}
        %reduce_sum3A = arith.constant true
        %reduce_sum3A_64 = vector.broadcast %reduce_sum3A : i1 to vector<16xi1>
        %reduce_sum3A_65 = tpu.scan <sum>, %parallel_loop3A_63 masked %reduce_sum3A_64 : vector<16xf32>, vector<16xi1> -> vector<16xf32>
        %reduce_sum3A_66 = vector.extract %reduce_sum3A_65[15] : f32 from vector<16xf32>
        %convert_element_type3A_67 = arith.fptosi %reduce_sum3A_66 : f32 to i32
        %add3A_68 = vector.broadcast %add3A_37 : i32 to vector<16xi32>
        %add3A_69 = arith.addi %broadcast_in_dim3A_7, %add3A_68 : vector<16xi32>
        %add3A_70 = vector.broadcast %convert_element_type3A_67 : i32 to vector<16xi32>
        %add3A_71 = arith.addi %broadcast_in_dim3A_7, %add3A_70 : vector<16xi32>
        tpu.vector_store_idx %arg6[%add3A_69], %add3A_71 masked %eq3A_9 : memref<80xi32, #tpu.memory_space<vmem>>[vector<16xi32>], vector<16xi32>, vector<16xi1>
      } else {
      }
      %mul3A_40 = arith.constant 2 : i32
      %mul3A_41 = arith.muli %mul3A_40, %scan3A_32 : i32
      %add3A_42 = arith.constant 1 : i32
      %add3A_43 = arith.addi %mul3A_41, %add3A_42 : i32
      %lt3A_44 = arith.cmpi slt, %add3A_43, %select_n3A : i32
      %convert_element_type3A_45 = arith.extui %lt3A_44 : i1 to i32
      %cond3A_46 = arith.constant 0 : i32
      %cond3A_47 = arith.cmpi ne, %convert_element_type3A_45, %cond3A_46 : i32
      scf.if %cond3A_47 {
        %add3A_49 = arith.addi %add3A_4, %add3A_43 : i32
        %mul3A_50 = arith.constant 12800 : i32
        %mul3A_51 = arith.muli %add3A_49, %mul3A_50 : i32
        %dma_wait3A = tpu.memref_slice %arg2[%mul3A_51] : memref<32000000xf32, #tpu.memory_space<hbm>> -> memref<12800xf32, #tpu.memory_space<hbm>>
        %dma_wait3A_52 = tpu.memref_slice %arg2[%mul3A_51] : memref<32000000xf32, #tpu.memory_space<hbm>> -> memref<12800xf32, #tpu.memory_space<hbm>>
        tpu.wait_dma2 semaphore(%arg8 : memref<!tpu.dma_semaphore, #tpu.memory_space<semaphore_mem>>) src(%dma_wait3A_52 : memref<12800xf32, #tpu.memory_space<hbm>>) dst(%arg5 : memref<12800xf32, #tpu.memory_space<vmem>>)
        %add3A_53 = arith.constant 1 : i32
        %add3A_54 = arith.addi %add3A_43, %add3A_53 : i32
        %lt3A_55 = arith.cmpi slt, %add3A_54, %select_n3A : i32
        %convert_element_type3A_56 = arith.extui %lt3A_55 : i1 to i32
        %cond3A_57 = arith.constant 0 : i32
        %cond3A_58 = arith.cmpi ne, %convert_element_type3A_56, %cond3A_57 : i32
        scf.if %cond3A_58 {
          %add3A_72 = arith.constant 1 : i32
          %add3A_73 = arith.addi %add3A_43, %add3A_72 : i32
          %add3A_74 = arith.addi %add3A_4, %add3A_73 : i32
          %mul3A_75 = arith.constant 12800 : i32
          %mul3A_76 = arith.muli %add3A_74, %mul3A_75 : i32
          %dma_start3A_77 = tpu.memref_slice %arg2[%mul3A_76] : memref<32000000xf32, #tpu.memory_space<hbm>> -> memref<12800xf32, #tpu.memory_space<hbm>>
          %dma_start3A_78 = tpu.memref_slice %arg2[%mul3A_76] : memref<32000000xf32, #tpu.memory_space<hbm>> -> memref<12800xf32, #tpu.memory_space<hbm>>
          tpu.enqueue_dma source(%dma_start3A_78 : memref<12800xf32, #tpu.memory_space<hbm>>) target(%arg4 : memref<12800xf32, #tpu.memory_space<vmem>>) target_semaphore(%arg7 : memref<!tpu.dma_semaphore, #tpu.memory_space<semaphore_mem>>)
        } else {
        }
        %broadcast_in_dim3A_59 = arith.constant 0.000000e+00 : f32
        %broadcast_in_dim3A_60 = vector.broadcast %broadcast_in_dim3A_59 : f32 to vector<16xf32>
        %parallel_loop3A = arith.constant 0 : i32
        %parallel_loop3A_61 = arith.constant 200 : i32
        %parallel_loop3A_62 = arith.constant 1 : i32
        %parallel_loop3A_63 = scf.for %parallel_loop3A_72 = %parallel_loop3A to %parallel_loop3A_61 step %parallel_loop3A_62 iter_args(%parallel_loop3A_73 = %broadcast_in_dim3A_60) -> (vector<16xf32>)  : i32 {
          %parallel_loop3A_74 = arith.constant 64 : i32
          %parallel_loop3A_75 = arith.muli %parallel_loop3A_72, %parallel_loop3A_74 : i32
          %parallel_loop3A_76 = arith.index_cast %parallel_loop3A_75 : i32 to index
          %parallel_loop3A_77 = tpu.vector_load %arg5[%parallel_loop3A_76] {strides = array<i32>} : memref<12800xf32, #tpu.memory_space<vmem>>, vector<16xf32>,
          %parallel_loop3A_78 = arith.constant 64 : i32
          %parallel_loop3A_79 = arith.muli %parallel_loop3A_72, %parallel_loop3A_78 : i32
          %parallel_loop3A_80 = arith.constant 16 : i32
          %parallel_loop3A_81 = arith.addi %parallel_loop3A_79, %parallel_loop3A_80 : i32
          %parallel_loop3A_82 = arith.index_cast %parallel_loop3A_81 : i32 to index
          %parallel_loop3A_83 = tpu.vector_load %arg5[%parallel_loop3A_82] {strides = array<i32>} : memref<12800xf32, #tpu.memory_space<vmem>>, vector<16xf32>,
          %parallel_loop3A_84 = arith.constant 64 : i32
          %parallel_loop3A_85 = arith.muli %parallel_loop3A_72, %parallel_loop3A_84 : i32
          %parallel_loop3A_86 = arith.constant 32 : i32
          %parallel_loop3A_87 = arith.addi %parallel_loop3A_85, %parallel_loop3A_86 : i32
          %parallel_loop3A_88 = arith.index_cast %parallel_loop3A_87 : i32 to index
          %parallel_loop3A_89 = tpu.vector_load %arg5[%parallel_loop3A_88] {strides = array<i32>} : memref<12800xf32, #tpu.memory_space<vmem>>, vector<16xf32>,
          %parallel_loop3A_90 = arith.constant 64 : i32
          %parallel_loop3A_91 = arith.muli %parallel_loop3A_72, %parallel_loop3A_90 : i32
          %parallel_loop3A_92 = arith.constant 48 : i32
          %parallel_loop3A_93 = arith.addi %parallel_loop3A_91, %parallel_loop3A_92 : i32
          %parallel_loop3A_94 = arith.index_cast %parallel_loop3A_93 : i32 to index
          %parallel_loop3A_95 = tpu.vector_load %arg5[%parallel_loop3A_94] {strides = array<i32>} : memref<12800xf32, #tpu.memory_space<vmem>>, vector<16xf32>,
          %parallel_loop3A_96 = arith.addf %parallel_loop3A_77, %parallel_loop3A_83 : vector<16xf32>
          %parallel_loop3A_97 = arith.addf %parallel_loop3A_89, %parallel_loop3A_95 : vector<16xf32>
          %parallel_loop3A_98 = arith.addf %parallel_loop3A_96, %parallel_loop3A_97 : vector<16xf32>
          %parallel_loop3A_99 = arith.addf %parallel_loop3A_73, %parallel_loop3A_98 : vector<16xf32>
          scf.yield %parallel_loop3A_99 : vector<16xf32>
        } {sc.loop_unroll_factor = 2 : i64, sc.parallel_access}
        %reduce_sum3A = arith.constant true
        %reduce_sum3A_64 = vector.broadcast %reduce_sum3A : i1 to vector<16xi1>
        %reduce_sum3A_65 = tpu.scan <sum>, %parallel_loop3A_63 masked %reduce_sum3A_64 : vector<16xf32>, vector<16xi1> -> vector<16xf32>
        %reduce_sum3A_66 = vector.extract %reduce_sum3A_65[15] : f32 from vector<16xf32>
        %convert_element_type3A_67 = arith.fptosi %reduce_sum3A_66 : f32 to i32
        %add3A_68 = vector.broadcast %add3A_43 : i32 to vector<16xi32>
        %add3A_69 = arith.addi %broadcast_in_dim3A_7, %add3A_68 : vector<16xi32>
        %add3A_70 = vector.broadcast %convert_element_type3A_67 : i32 to vector<16xi32>
        %add3A_71 = arith.addi %broadcast_in_dim3A_7, %add3A_70 : vector<16xi32>
        tpu.vector_store_idx %arg6[%add3A_69], %add3A_71 masked %eq3A_9 : memref<80xi32, #tpu.memory_space<vmem>>[vector<16xi32>], vector<16xi32>, vector<16xi1>
      } else {
      }
      %scan3A_48 = arith.constant 0 : i32
      scf.yield %scan3A_48 : i32
    }
    %scan3A_29 = arith.constant 40 : i32
    %mul3A_30 = arith.constant 80 : i32
    %mul3A_31 = arith.muli %add3A, %mul3A_30 : i32
    "tpu.region"() ({
      %run_scoped3A = tpu.sem_alloc : memref<!tpu.dma_semaphore, #tpu.memory_space<semaphore_mem>>
      %dma_start3A_32 = tpu.memref_slice %arg3[%mul3A_31] : memref<2560xi32, #tpu.memory_space<hbm>> -> memref<80xi32, #tpu.memory_space<hbm>>
      %dma_start3A_33 = tpu.memref_slice %arg3[%mul3A_31] : memref<2560xi32, #tpu.memory_space<hbm>> -> memref<80xi32, #tpu.memory_space<hbm>>
      tpu.enqueue_dma source(%arg6 : memref<80xi32, #tpu.memory_space<vmem>>) target(%dma_start3A_33 : memref<80xi32, #tpu.memory_space<hbm>>) target_semaphore(%run_scoped3A : memref<!tpu.dma_semaphore, #tpu.memory_space<semaphore_mem>>)
      %dma_wait3A = tpu.memref_slice %arg3[%mul3A_31] : memref<2560xi32, #tpu.memory_space<hbm>> -> memref<80xi32, #tpu.memory_space<hbm>>
      %dma_wait3A_34 = tpu.memref_slice %arg3[%mul3A_31] : memref<2560xi32, #tpu.memory_space<hbm>> -> memref<80xi32, #tpu.memory_space<hbm>>
      tpu.wait_dma2 semaphore(%run_scoped3A : memref<!tpu.dma_semaphore, #tpu.memory_space<semaphore_mem>>) src(%arg6 : memref<80xi32, #tpu.memory_space<vmem>>) dst(%dma_wait3A_34 : memref<80xi32, #tpu.memory_space<hbm>>)
      tpu.yield
    }) : () -> ()
    return
  }
}

#map = affine_map<(d0, d1) -> (0)>
module attributes {stable_mosaic.version = 14 : i64} {
  func.func @_scatter_kernel(%arg0: i32, %arg1: i32, %arg2: memref<32000000xf32, #tpu.memory_space<hbm>>, %arg3: memref<32000000xf32, #tpu.memory_space<hbm>>, %arg4: memref<32000000xf32, #tpu.memory_space<hbm>>, %arg5: memref<2560xi32, #tpu.memory_space<hbm>>, %arg6: memref<32000000xf32, #tpu.memory_space<hbm>>, %arg7: memref<12800xf32, #tpu.memory_space<vmem>>, %arg8: memref<12800xf32, #tpu.memory_space<vmem>>, %arg9: memref<12800xf32, #tpu.memory_space<vmem>>, %arg10: memref<12800xf32, #tpu.memory_space<vmem>>, %arg11: memref<12800xf32, #tpu.memory_space<vmem>>, %arg12: memref<12800xf32, #tpu.memory_space<vmem>>, %arg13: memref<12824xf32, #tpu.memory_space<vmem>>, %arg14: memref<12824xf32, #tpu.memory_space<vmem>>, %arg15: memref<12824xf32, #tpu.memory_space<vmem>>, %arg16: memref<2560xi32, #tpu.memory_space<vmem>>, %arg17: memref<96xi32, #tpu.memory_space<vmem>>, %arg18: memref<!tpu.dma_semaphore, #tpu.memory_space<semaphore_mem>>, %arg19: memref<!tpu.dma_semaphore, #tpu.memory_space<semaphore_mem>>, %arg20: memref<!tpu.dma_semaphore, #tpu.memory_space<semaphore_mem>>, %arg21: memref<!tpu.dma_semaphore, #tpu.memory_space<semaphore_mem>>, %arg22: memref<!tpu.dma_semaphore, #tpu.memory_space<semaphore_mem>>, %arg23: memref<!tpu.dma_semaphore, #tpu.memory_space<semaphore_mem>>, %arg24: memref<!tpu.dma_semaphore, #tpu.memory_space<semaphore_mem>>, %arg25: memref<!tpu.dma_semaphore, #tpu.memory_space<semaphore_mem>>, %arg26: memref<!tpu.dma_semaphore, #tpu.memory_space<semaphore_mem>>) attributes {dimension_semantics = [#tpu.dimension_semantics<core_parallel>, #tpu.dimension_semantics<subcore_parallel>], iteration_bounds = array<i64: 2, 16>, scalar_prefetch = 0 : i64, scratch_operands = 20 : i64, tpu.core_type = #tpu.core_type<sc_vector_subcore>, window_params = [{transform_indices = #map}, {transform_indices = #map}, {transform_indices = #map}, {transform_indices = #map}, {transform_indices = #map}]} {
    %mul3A = arith.constant 2 : i32
    %mul3A_0 = arith.muli %arg1, %mul3A : i32
    %add3A = arith.addi %mul3A_0, %arg0 : i32
    %mul3A_1 = arith.constant 78 : i32
    %mul3A_2 = arith.muli %mul3A_1, %add3A : i32
    %min3A = arith.constant 4 : i32
    %min3A_3 = arith.minsi %add3A, %min3A : i32
    %add3A_4 = arith.addi %mul3A_2, %min3A_3 : i32
    %lt3A = arith.constant 4 : i32
    %lt3A_5 = arith.cmpi slt, %add3A, %lt3A : i32
    %jit3A = arith.constant 79 : i32
    %jit3A_6 = arith.constant 78 : i32
    %select_n3A = arith.select %lt3A_5, %jit3A, %jit3A_6 : i32
    %broadcast_in_dim3A = arith.constant 0 : i32
    %broadcast_in_dim3A_7 = vector.broadcast %broadcast_in_dim3A : i32 to vector<16xi32>
    %iota3A = tpu.iota {dimensions = array<i32: 0>} : vector<16xi32>
    "tpu.region"() ({
      %run_scoped3A = tpu.sem_alloc : memref<!tpu.dma_semaphore, #tpu.memory_space<semaphore_mem>>
      tpu.enqueue_dma source(%arg5 : memref<2560xi32, #tpu.memory_space<hbm>>) target(%arg16 : memref<2560xi32, #tpu.memory_space<vmem>>) target_semaphore(%run_scoped3A : memref<!tpu.dma_semaphore, #tpu.memory_space<semaphore_mem>>)
      tpu.wait_dma2 semaphore(%run_scoped3A : memref<!tpu.dma_semaphore, #tpu.memory_space<semaphore_mem>>) src(%arg5 : memref<2560xi32, #tpu.memory_space<hbm>>) dst(%arg16 : memref<2560xi32, #tpu.memory_space<vmem>>)
      tpu.yield
    }) : () -> ()
    %mul3A_8 = arith.constant 5 : i32
    %mul3A_9 = arith.muli %add3A, %mul3A_8 : i32
    %while3A = arith.constant 0 : i32
    %while3A_10 = arith.subi %mul3A_9, %while3A : i32
    %while3A_11 = arith.addi %while3A, %while3A_10 : i32
    %while3A_12 = arith.constant 1 : i32
    %while3A_13 = arith.divsi %while3A_10, %while3A_12 : i32
    %while3A_14 = arith.muli %while3A_13, %while3A_12 : i32
    %while3A_15 = arith.addi %while3A, %while3A_14 : i32
    %while3A_16 = arith.constant 1 : i32
    %while3A_17 = scf.for %while3A_92 = %while3A to %while3A_15 step %while3A_16 iter_args(%while3A_93 = %broadcast_in_dim3A_7) -> (vector<16xi32>)  : i32 {
      %mul3A_94 = arith.constant 16 : i32
      %mul3A_95 = arith.muli %while3A_92, %mul3A_94 : i32
      %get3A_96 = arith.index_cast %mul3A_95 : i32 to index
      %get3A_97 = tpu.vector_load %arg16[%get3A_96] {strides = array<i32>} : memref<2560xi32, #tpu.memory_space<vmem>>, vector<16xi32>,
      %add3A_98 = arith.addi %while3A_93, %get3A_97 : vector<16xi32>
      scf.yield %add3A_98 : vector<16xi32>
    }
    %while3A_18 = arith.constant 1 : i32
    %while3A_19 = scf.for %while3A_92 = %while3A_15 to %while3A_11 step %while3A_18 iter_args(%while3A_93 = %while3A_17) -> (vector<16xi32>)  : i32 {
      %mul3A_94 = arith.constant 16 : i32
      %mul3A_95 = arith.muli %while3A_92, %mul3A_94 : i32
      %get3A_96 = arith.index_cast %mul3A_95 : i32 to index
      %get3A_97 = tpu.vector_load %arg16[%get3A_96] {strides = array<i32>} : memref<2560xi32, #tpu.memory_space<vmem>>, vector<16xi32>,
      %add3A_98 = arith.addi %while3A_93, %get3A_97 : vector<16xi32>
      scf.yield %add3A_98 : vector<16xi32>
    }
    %reduce_sum3A = arith.constant true
    %reduce_sum3A_20 = vector.broadcast %reduce_sum3A : i1 to vector<16xi1>
    %reduce_sum3A_21 = tpu.scan <sum>, %while3A_19 masked %reduce_sum3A_20 : vector<16xi32>, vector<16xi1> -> vector<16xi32>
    %reduce_sum3A_22 = vector.extract %reduce_sum3A_21[15] : i32 from vector<16xi32>
    %scan3A = arith.constant 0 : i32
    %scan3A_23 = arith.constant 5 : i32
    %scan3A_24 = arith.addi %scan3A, %scan3A_23 : i32
    %scan3A_25 = arith.constant 1 : i32
    %scan3A_26 = scf.for %scan3A_92 = %scan3A to %scan3A_24 step %scan3A_25 iter_args(%scan3A_93 = %reduce_sum3A_22) -> (i32)  : i32 {
      %mul3A_94 = arith.constant 5 : i32
      %mul3A_95 = arith.muli %add3A, %mul3A_94 : i32
      %add3A_96 = arith.addi %mul3A_95, %scan3A_92 : i32
      %mul3A_97 = arith.constant 16 : i32
      %mul3A_98 = arith.muli %add3A_96, %mul3A_97 : i32
      %get3A_99 = arith.index_cast %mul3A_98 : i32 to index
      %get3A_100 = tpu.vector_load %arg16[%get3A_99] {strides = array<i32>} : memref<2560xi32, #tpu.memory_space<vmem>>, vector<16xi32>,
      %broadcast_in_dim3A_101 = arith.constant true
      %broadcast_in_dim3A_102 = vector.broadcast %broadcast_in_dim3A_101 : i1 to vector<16xi1>
      %masked_cumsum3A = tpu.scan <sum>, %get3A_100 masked %broadcast_in_dim3A_102 : vector<16xi32>, vector<16xi1> -> vector<16xi32>
      %sub3A = arith.subi %masked_cumsum3A, %get3A_100 : vector<16xi32>
      %add3A_103 = vector.broadcast %scan3A_93 : i32 to vector<16xi32>
      %add3A_104 = arith.addi %sub3A, %add3A_103 : vector<16xi32>
      %mul3A_105 = arith.constant 16 : i32
      %mul3A_106 = arith.muli %scan3A_92, %mul3A_105 : i32
      %swap3A = arith.index_cast %mul3A_106 : i32 to index
      %swap3A_107 = tpu.vector_load %arg17[%swap3A] {strides = array<i32>} : memref<96xi32, #tpu.memory_space<vmem>>, vector<16xi32>,
      tpu.vector_store %arg17[%swap3A], %add3A_104 {strides = array<i32>} : memref<96xi32, #tpu.memory_space<vmem>>, vector<16xi32>,
      %reduce_sum3A_108 = arith.constant true
      %reduce_sum3A_109 = vector.broadcast %reduce_sum3A_108 : i1 to vector<16xi1>
      %reduce_sum3A_110 = tpu.scan <sum>, %get3A_100 masked %reduce_sum3A_109 : vector<16xi32>, vector<16xi1> -> vector<16xi32>
      %reduce_sum3A_111 = vector.extract %reduce_sum3A_110[15] : i32 from vector<16xi32>
      %add3A_112 = arith.addi %scan3A_93, %reduce_sum3A_111 : i32
      scf.yield %add3A_112 : i32
    }
    %scan3A_27 = arith.constant 5 : i32
    %add3A_28 = arith.constant 0 : i32
    %add3A_29 = arith.addi %add3A_4, %add3A_28 : i32
    %mul3A_30 = arith.constant 12800 : i32
    %mul3A_31 = arith.muli %add3A_29, %mul3A_30 : i32
    %get3A = arith.constant 0 : index
    %get3A_32 = tpu.vector_load %arg17[%get3A] {strides = array<i32>} : memref<96xi32, #tpu.memory_space<vmem>>, vector<16xi32>,
    %slice3A = vector.extract_strided_slice %get3A_32 {offsets = [0], sizes = [1], strides = [1]} : vector<16xi32> to vector<1xi32>
    %squeeze3A = vector.extract %slice3A[0] : i32 from vector<1xi32>
    %and3A = arith.constant -8 : i32
    %and3A_33 = arith.andi %squeeze3A, %and3A : i32
    %min3A_34 = arith.constant 31987192 : i32
    %min3A_35 = arith.minsi %and3A_33, %min3A_34 : i32
    %multiple_of3A = tpu.assume_multiple %min3A_35, 8 : i32
    %add3A_36 = arith.constant 1 : i32
    %add3A_37 = arith.addi %add3A_4, %add3A_36 : i32
    %mul3A_38 = arith.constant 12800 : i32
    %mul3A_39 = arith.muli %add3A_37, %mul3A_38 : i32
    %get3A_40 = arith.constant 1 : index
    %get3A_41 = tpu.vector_load %arg17[%get3A_40] {strides = array<i32>} : memref<96xi32, #tpu.memory_space<vmem>>, vector<16xi32>,
    %slice3A_42 = vector.extract_strided_slice %get3A_41 {offsets = [0], sizes = [1], strides = [1]} : vector<16xi32> to vector<1xi32>
    %squeeze3A_43 = vector.extract %slice3A_42[0] : i32 from vector<1xi32>
    %and3A_44 = arith.constant -8 : i32
    %and3A_45 = arith.andi %squeeze3A_43, %and3A_44 : i32
    %min3A_46 = arith.constant 31987192 : i32
    %min3A_47 = arith.minsi %and3A_45, %min3A_46 : i32
    %multiple_of3A_48 = tpu.assume_multiple %min3A_47, 8 : i32
    %dma_start3A = tpu.memref_slice %arg2[%mul3A_31] : memref<32000000xf32, #tpu.memory_space<hbm>> -> memref<12800xf32, #tpu.memory_space<hbm>>
    %dma_start3A_49 = tpu.memref_slice %arg2[%mul3A_31] : memref<32000000xf32, #tpu.memory_space<hbm>> -> memref<12800xf32, #tpu.memory_space<hbm>>
    tpu.enqueue_dma source(%dma_start3A_49 : memref<12800xf32, #tpu.memory_space<hbm>>) target(%arg7 : memref<12800xf32, #tpu.memory_space<vmem>>) target_semaphore(%arg18 : memref<!tpu.dma_semaphore, #tpu.memory_space<semaphore_mem>>)
    %dma_start3A_50 = arith.constant 0 : i32
    %dma_start3A_51 = tpu.memref_slice %arg13[%dma_start3A_50] : memref<12824xf32, #tpu.memory_space<vmem>> -> memref<12808xf32, #tpu.memory_space<vmem>>
    %dma_start3A_52 = tpu.memref_slice %arg4[%multiple_of3A] : memref<32000000xf32, #tpu.memory_space<hbm>> -> memref<12808xf32, #tpu.memory_space<hbm>>
    %dma_start3A_53 = arith.constant 0 : i32
    %dma_start3A_54 = tpu.memref_slice %arg13[%dma_start3A_53] : memref<12824xf32, #tpu.memory_space<vmem>> -> memref<12808xf32, #tpu.memory_space<vmem>>
    %dma_start3A_55 = tpu.memref_slice %arg4[%multiple_of3A] : memref<32000000xf32, #tpu.memory_space<hbm>> -> memref<12808xf32, #tpu.memory_space<hbm>>
    tpu.enqueue_dma source(%dma_start3A_55 : memref<12808xf32, #tpu.memory_space<hbm>>) target(%dma_start3A_54 : memref<12808xf32, #tpu.memory_space<vmem>>) target_semaphore(%arg18 : memref<!tpu.dma_semaphore, #tpu.memory_space<semaphore_mem>>)
    %dma_start3A_56 = tpu.memref_slice %arg3[%mul3A_31] : memref<32000000xf32, #tpu.memory_space<hbm>> -> memref<12800xf32, #tpu.memory_space<hbm>>
    %dma_start3A_57 = tpu.memref_slice %arg3[%mul3A_31] : memref<32000000xf32, #tpu.memory_space<hbm>> -> memref<12800xf32, #tpu.memory_space<hbm>>
    tpu.enqueue_dma source(%dma_start3A_57 : memref<12800xf32, #tpu.memory_space<hbm>>) target(%arg10 : memref<12800xf32, #tpu.memory_space<vmem>>) target_semaphore(%arg21 : memref<!tpu.dma_semaphore, #tpu.memory_space<semaphore_mem>>)
    %dma_start3A_58 = tpu.memref_slice %arg2[%mul3A_39] : memref<32000000xf32, #tpu.memory_space<hbm>> -> memref<12800xf32, #tpu.memory_space<hbm>>
    %dma_start3A_59 = tpu.memref_slice %arg2[%mul3A_39] : memref<32000000xf32, #tpu.memory_space<hbm>> -> memref<12800xf32, #tpu.memory_space<hbm>>
    tpu.enqueue_dma source(%dma_start3A_59 : memref<12800xf32, #tpu.memory_space<hbm>>) target(%arg8 : memref<12800xf32, #tpu.memory_space<vmem>>) target_semaphore(%arg19 : memref<!tpu.dma_semaphore, #tpu.memory_space<semaphore_mem>>)
    %dma_start3A_60 = arith.constant 0 : i32
    %dma_start3A_61 = tpu.memref_slice %arg14[%dma_start3A_60] : memref<12824xf32, #tpu.memory_space<vmem>> -> memref<12808xf32, #tpu.memory_space<vmem>>
    %dma_start3A_62 = tpu.memref_slice %arg4[%multiple_of3A_48] : memref<32000000xf32, #tpu.memory_space<hbm>> -> memref<12808xf32, #tpu.memory_space<hbm>>
    %dma_start3A_63 = arith.constant 0 : i32
    %dma_start3A_64 = tpu.memref_slice %arg14[%dma_start3A_63] : memref<12824xf32, #tpu.memory_space<vmem>> -> memref<12808xf32, #tpu.memory_space<vmem>>
    %dma_start3A_65 = tpu.memref_slice %arg4[%multiple_of3A_48] : memref<32000000xf32, #tpu.memory_space<hbm>> -> memref<12808xf32, #tpu.memory_space<hbm>>
    tpu.enqueue_dma source(%dma_start3A_65 : memref<12808xf32, #tpu.memory_space<hbm>>) target(%dma_start3A_64 : memref<12808xf32, #tpu.memory_space<vmem>>) target_semaphore(%arg19 : memref<!tpu.dma_semaphore, #tpu.memory_space<semaphore_mem>>)
    %dma_start3A_66 = tpu.memref_slice %arg3[%mul3A_39] : memref<32000000xf32, #tpu.memory_space<hbm>> -> memref<12800xf32, #tpu.memory_space<hbm>>
    %dma_start3A_67 = tpu.memref_slice %arg3[%mul3A_39] : memref<32000000xf32, #tpu.memory_space<hbm>> -> memref<12800xf32, #tpu.memory_space<hbm>>
    tpu.enqueue_dma source(%dma_start3A_67 : memref<12800xf32, #tpu.memory_space<hbm>>) target(%arg11 : memref<12800xf32, #tpu.memory_space<vmem>>) target_semaphore(%arg22 : memref<!tpu.dma_semaphore, #tpu.memory_space<semaphore_mem>>)
    %scan3A_68 = arith.constant 0 : i32
    %scan3A_69 = arith.constant 0 : i32
    %scan3A_70 = arith.constant 27 : i32
    %scan3A_71 = arith.addi %scan3A_69, %scan3A_70 : i32
    %scan3A_72 = arith.constant 1 : i32
    %scan3A_73 = scf.for %scan3A_92 = %scan3A_69 to %scan3A_71 step %scan3A_72 iter_args(%scan3A_93 = %scan3A_68) -> (i32)  : i32 {
      %mul3A_94 = arith.constant 3 : i32
      %mul3A_95 = arith.muli %mul3A_94, %scan3A_92 : i32
      %add3A_96 = arith.constant 0 : i32
      %add3A_97 = arith.addi %mul3A_95, %add3A_96 : i32
      %lt3A_98 = arith.cmpi slt, %add3A_97, %select_n3A : i32
      %convert_element_type3A = arith.extui %lt3A_98 : i1 to i32
      %cond3A = arith.constant 0 : i32
      %cond3A_99 = arith.cmpi ne, %convert_element_type3A, %cond3A : i32
      scf.if %cond3A_99 {
        %add3A_117 = arith.addi %add3A_4, %add3A_97 : i32
        %mul3A_118 = arith.constant 12800 : i32
        %mul3A_119 = arith.muli %add3A_117, %mul3A_118 : i32
        %get3A_120 = arith.index_cast %add3A_97 : i32 to index
        %get3A_121 = tpu.vector_load %arg17[%get3A_120] {strides = array<i32>} : memref<96xi32, #tpu.memory_space<vmem>>, vector<16xi32>,
        %slice3A_122 = vector.extract_strided_slice %get3A_121 {offsets = [0], sizes = [1], strides = [1]} : vector<16xi32> to vector<1xi32>
        %squeeze3A_123 = vector.extract %slice3A_122[0] : i32 from vector<1xi32>
        %and3A_124 = arith.constant -8 : i32
        %and3A_125 = arith.andi %squeeze3A_123, %and3A_124 : i32
        %min3A_126 = arith.constant 31987192 : i32
        %min3A_127 = arith.minsi %and3A_125, %min3A_126 : i32
        %multiple_of3A_128 = tpu.assume_multiple %min3A_127, 8 : i32
        %dma_wait3A_129 = tpu.memref_slice %arg2[%mul3A_119] : memref<32000000xf32, #tpu.memory_space<hbm>> -> memref<12800xf32, #tpu.memory_space<hbm>>
        %dma_wait3A_130 = tpu.memref_slice %arg2[%mul3A_119] : memref<32000000xf32, #tpu.memory_space<hbm>> -> memref<12800xf32, #tpu.memory_space<hbm>>
        tpu.wait_dma2 semaphore(%arg18 : memref<!tpu.dma_semaphore, #tpu.memory_space<semaphore_mem>>) src(%dma_wait3A_130 : memref<12800xf32, #tpu.memory_space<hbm>>) dst(%arg7 : memref<12800xf32, #tpu.memory_space<vmem>>)
        %dma_wait3A_131 = arith.constant 0 : i32
        %dma_wait3A_132 = tpu.memref_slice %arg13[%dma_wait3A_131] : memref<12824xf32, #tpu.memory_space<vmem>> -> memref<12808xf32, #tpu.memory_space<vmem>>
        %dma_wait3A_133 = tpu.memref_slice %arg4[%multiple_of3A_128] : memref<32000000xf32, #tpu.memory_space<hbm>> -> memref<12808xf32, #tpu.memory_space<hbm>>
        %dma_wait3A_134 = arith.constant 0 : i32
        %dma_wait3A_135 = tpu.memref_slice %arg13[%dma_wait3A_134] : memref<12824xf32, #tpu.memory_space<vmem>> -> memref<12808xf32, #tpu.memory_space<vmem>>
        %dma_wait3A_136 = tpu.memref_slice %arg4[%multiple_of3A_128] : memref<32000000xf32, #tpu.memory_space<hbm>> -> memref<12808xf32, #tpu.memory_space<hbm>>
        tpu.wait_dma2 semaphore(%arg18 : memref<!tpu.dma_semaphore, #tpu.memory_space<semaphore_mem>>) src(%dma_wait3A_136 : memref<12808xf32, #tpu.memory_space<hbm>>) dst(%dma_wait3A_135 : memref<12808xf32, #tpu.memory_space<vmem>>)
        %dma_wait3A_137 = tpu.memref_slice %arg3[%mul3A_119] : memref<32000000xf32, #tpu.memory_space<hbm>> -> memref<12800xf32, #tpu.memory_space<hbm>>
        %dma_wait3A_138 = tpu.memref_slice %arg3[%mul3A_119] : memref<32000000xf32, #tpu.memory_space<hbm>> -> memref<12800xf32, #tpu.memory_space<hbm>>
        tpu.wait_dma2 semaphore(%arg21 : memref<!tpu.dma_semaphore, #tpu.memory_space<semaphore_mem>>) src(%dma_wait3A_138 : memref<12800xf32, #tpu.memory_space<hbm>>) dst(%arg10 : memref<12800xf32, #tpu.memory_space<vmem>>)
        %add3A_139 = arith.constant 2 : i32
        %add3A_140 = arith.addi %add3A_97, %add3A_139 : i32
        %lt3A_141 = arith.cmpi slt, %add3A_140, %select_n3A : i32
        %convert_element_type3A_142 = arith.extui %lt3A_141 : i1 to i32
        %cond3A_143 = arith.constant 0 : i32
        %cond3A_144 = arith.cmpi ne, %convert_element_type3A_142, %cond3A_143 : i32
        scf.if %cond3A_144 {
          %ge3A = arith.constant 1 : i32
          %ge3A_168 = arith.cmpi sge, %add3A_97, %ge3A : i32
          %convert_element_type3A_169 = arith.extui %ge3A_168 : i1 to i32
          %cond3A_170 = arith.constant 0 : i32
          %cond3A_171 = arith.cmpi ne, %convert_element_type3A_169, %cond3A_170 : i32
          scf.if %cond3A_171 {
            %sub3A_196 = arith.constant 1 : i32
            %sub3A_197 = arith.subi %add3A_97, %sub3A_196 : i32
            %add3A_198 = arith.addi %add3A_4, %sub3A_197 : i32
            %mul3A_199 = arith.constant 12800 : i32
            %mul3A_200 = arith.muli %add3A_198, %mul3A_199 : i32
            %dma_wait3A_201 = tpu.memref_slice %arg6[%mul3A_200] : memref<32000000xf32, #tpu.memory_space<hbm>> -> memref<12800xf32, #tpu.memory_space<hbm>>
            %dma_wait3A_202 = tpu.memref_slice %arg6[%mul3A_200] : memref<32000000xf32, #tpu.memory_space<hbm>> -> memref<12800xf32, #tpu.memory_space<hbm>>
            tpu.wait_dma2 semaphore(%arg26 : memref<!tpu.dma_semaphore, #tpu.memory_space<semaphore_mem>>) src(%arg12 : memref<12800xf32, #tpu.memory_space<vmem>>) dst(%dma_wait3A_202 : memref<12800xf32, #tpu.memory_space<hbm>>)
          } else {
          }
          %add3A_172 = arith.constant 2 : i32
          %add3A_173 = arith.addi %add3A_97, %add3A_172 : i32
          %add3A_174 = arith.addi %add3A_4, %add3A_173 : i32
          %mul3A_175 = arith.constant 12800 : i32
          %mul3A_176 = arith.muli %add3A_174, %mul3A_175 : i32
          %get3A_177 = arith.index_cast %add3A_173 : i32 to index
          %get3A_178 = tpu.vector_load %arg17[%get3A_177] {strides = array<i32>} : memref<96xi32, #tpu.memory_space<vmem>>, vector<16xi32>,
          %slice3A_179 = vector.extract_strided_slice %get3A_178 {offsets = [0], sizes = [1], strides = [1]} : vector<16xi32> to vector<1xi32>
          %squeeze3A_180 = vector.extract %slice3A_179[0] : i32 from vector<1xi32>
          %and3A_181 = arith.constant -8 : i32
          %and3A_182 = arith.andi %squeeze3A_180, %and3A_181 : i32
          %min3A_183 = arith.constant 31987192 : i32
          %min3A_184 = arith.minsi %and3A_182, %min3A_183 : i32
          %multiple_of3A_185 = tpu.assume_multiple %min3A_184, 8 : i32
          %dma_start3A_186 = tpu.memref_slice %arg2[%mul3A_176] : memref<32000000xf32, #tpu.memory_space<hbm>> -> memref<12800xf32, #tpu.memory_space<hbm>>
          %dma_start3A_187 = tpu.memref_slice %arg2[%mul3A_176] : memref<32000000xf32, #tpu.memory_space<hbm>> -> memref<12800xf32, #tpu.memory_space<hbm>>
          tpu.enqueue_dma source(%dma_start3A_187 : memref<12800xf32, #tpu.memory_space<hbm>>) target(%arg9 : memref<12800xf32, #tpu.memory_space<vmem>>) target_semaphore(%arg20 : memref<!tpu.dma_semaphore, #tpu.memory_space<semaphore_mem>>)
          %dma_start3A_188 = arith.constant 0 : i32
          %dma_start3A_189 = tpu.memref_slice %arg15[%dma_start3A_188] : memref<12824xf32, #tpu.memory_space<vmem>> -> memref<12808xf32, #tpu.memory_space<vmem>>
          %dma_start3A_190 = tpu.memref_slice %arg4[%multiple_of3A_185] : memref<32000000xf32, #tpu.memory_space<hbm>> -> memref<12808xf32, #tpu.memory_space<hbm>>
          %dma_start3A_191 = arith.constant 0 : i32
          %dma_start3A_192 = tpu.memref_slice %arg15[%dma_start3A_191] : memref<12824xf32, #tpu.memory_space<vmem>> -> memref<12808xf32, #tpu.memory_space<vmem>>
          %dma_start3A_193 = tpu.memref_slice %arg4[%multiple_of3A_185] : memref<32000000xf32, #tpu.memory_space<hbm>> -> memref<12808xf32, #tpu.memory_space<hbm>>
          tpu.enqueue_dma source(%dma_start3A_193 : memref<12808xf32, #tpu.memory_space<hbm>>) target(%dma_start3A_192 : memref<12808xf32, #tpu.memory_space<vmem>>) target_semaphore(%arg20 : memref<!tpu.dma_semaphore, #tpu.memory_space<semaphore_mem>>)
          %dma_start3A_194 = tpu.memref_slice %arg3[%mul3A_176] : memref<32000000xf32, #tpu.memory_space<hbm>> -> memref<12800xf32, #tpu.memory_space<hbm>>
          %dma_start3A_195 = tpu.memref_slice %arg3[%mul3A_176] : memref<32000000xf32, #tpu.memory_space<hbm>> -> memref<12800xf32, #tpu.memory_space<hbm>>
          tpu.enqueue_dma source(%dma_start3A_195 : memref<12800xf32, #tpu.memory_space<hbm>>) target(%arg12 : memref<12800xf32, #tpu.memory_space<vmem>>) target_semaphore(%arg23 : memref<!tpu.dma_semaphore, #tpu.memory_space<semaphore_mem>>)
        } else {
        }
        %get3A_145 = arith.index_cast %add3A_97 : i32 to index
        %get3A_146 = tpu.vector_load %arg17[%get3A_145] {strides = array<i32>} : memref<96xi32, #tpu.memory_space<vmem>>, vector<16xi32>,
        %slice3A_147 = vector.extract_strided_slice %get3A_146 {offsets = [0], sizes = [1], strides = [1]} : vector<16xi32> to vector<1xi32>
        %squeeze3A_148 = vector.extract %slice3A_147[0] : i32 from vector<1xi32>
        %get3A_149 = arith.index_cast %add3A_97 : i32 to index
        %get3A_150 = tpu.vector_load %arg17[%get3A_149] {strides = array<i32>} : memref<96xi32, #tpu.memory_space<vmem>>, vector<16xi32>,
        %slice3A_151 = vector.extract_strided_slice %get3A_150 {offsets = [0], sizes = [1], strides = [1]} : vector<16xi32> to vector<1xi32>
        %squeeze3A_152 = vector.extract %slice3A_151[0] : i32 from vector<1xi32>
        %and3A_153 = arith.constant -8 : i32
        %and3A_154 = arith.andi %squeeze3A_152, %and3A_153 : i32
        %min3A_155 = arith.constant 31987192 : i32
        %min3A_156 = arith.minsi %and3A_154, %min3A_155 : i32
        %multiple_of3A_157 = tpu.assume_multiple %min3A_156, 8 : i32
        %sub3A = arith.subi %squeeze3A_148, %multiple_of3A_157 : i32
        %add3A_158 = vector.broadcast %sub3A : i32 to vector<16xi32>
        %add3A_159 = arith.addi %broadcast_in_dim3A_7, %add3A_158 : vector<16xi32>
        %parallel_loop3A = arith.constant 0 : i32
        %parallel_loop3A_160 = arith.constant 800 : i32
        %parallel_loop3A_161 = arith.constant 1 : i32
        %parallel_loop3A_162 = scf.for %parallel_loop3A_168 = %parallel_loop3A to %parallel_loop3A_160 step %parallel_loop3A_161 iter_args(%parallel_loop3A_169 = %add3A_159) -> (vector<16xi32>)  : i32 {
          %parallel_loop3A_170 = arith.constant 16 : i32
          %parallel_loop3A_171 = arith.muli %parallel_loop3A_168, %parallel_loop3A_170 : i32
          %parallel_loop3A_172 = arith.index_cast %parallel_loop3A_171 : i32 to index
          %parallel_loop3A_173 = tpu.vector_load %arg7[%parallel_loop3A_172] {strides = array<i32>} : memref<12800xf32, #tpu.memory_space<vmem>>, vector<16xf32>,
          %parallel_loop3A_174 = arith.constant 0.000000e+00 : f32
          %parallel_loop3A_175 = vector.broadcast %parallel_loop3A_174 : f32 to vector<16xf32>
          %parallel_loop3A_176 = arith.cmpf one, %parallel_loop3A_173, %parallel_loop3A_175 : vector<16xf32>
          %parallel_loop3A_177 = vector.extract_strided_slice %parallel_loop3A_169 {offsets = [0], sizes = [1], strides = [1]} : vector<16xi32> to vector<1xi32>
          %parallel_loop3A_178 = vector.extract %parallel_loop3A_177[0] : i32 from vector<1xi32>
          %parallel_loop3A_179 = arith.index_cast %parallel_loop3A_178 : i32 to index
          %parallel_loop3A_180 = tpu.vector_load %arg13[%parallel_loop3A_179] masked %parallel_loop3A_176 {strides = array<i32>} : memref<12824xf32, #tpu.memory_space<vmem>>, vector<16xf32>, vector<16xi1>
          %parallel_loop3A_181 = arith.constant 16 : i32
          %parallel_loop3A_182 = arith.muli %parallel_loop3A_168, %parallel_loop3A_181 : i32
          %parallel_loop3A_183 = vector.broadcast %parallel_loop3A_182 : i32 to vector<16xi32>
          %parallel_loop3A_184 = arith.addi %iota3A, %parallel_loop3A_183 : vector<16xi32>
          tpu.vector_store_idx %arg10[%parallel_loop3A_184], %parallel_loop3A_180 masked %parallel_loop3A_176 : memref<12800xf32, #tpu.memory_space<vmem>>[vector<16xi32>], vector<16xf32>, vector<16xi1>
          %parallel_loop3A_185 = tpu.all_reduce %parallel_loop3A_176 {dim = 0 : i64, kind = #tpu.reduction_kind<sum>} : vector<16xi1> -> vector<16xi32>
          %parallel_loop3A_186 = arith.addi %parallel_loop3A_169, %parallel_loop3A_185 : vector<16xi32>
          scf.yield %parallel_loop3A_186 : vector<16xi32>
        } {sc.loop_unroll_factor = 4 : i64, sc.parallel_access}
        %add3A_163 = arith.addi %add3A_4, %add3A_97 : i32
        %mul3A_164 = arith.constant 12800 : i32
        %mul3A_165 = arith.muli %add3A_163, %mul3A_164 : i32
        %dma_start3A_166 = tpu.memref_slice %arg6[%mul3A_165] : memref<32000000xf32, #tpu.memory_space<hbm>> -> memref<12800xf32, #tpu.memory_space<hbm>>
        %dma_start3A_167 = tpu.memref_slice %arg6[%mul3A_165] : memref<32000000xf32, #tpu.memory_space<hbm>> -> memref<12800xf32, #tpu.memory_space<hbm>>
        tpu.enqueue_dma source(%arg10 : memref<12800xf32, #tpu.memory_space<vmem>>) target(%dma_start3A_167 : memref<12800xf32, #tpu.memory_space<hbm>>) target_semaphore(%arg24 : memref<!tpu.dma_semaphore, #tpu.memory_space<semaphore_mem>>)
      } else {
      }
      %mul3A_100 = arith.constant 3 : i32
      %mul3A_101 = arith.muli %mul3A_100, %scan3A_92 : i32
      %add3A_102 = arith.constant 1 : i32
      %add3A_103 = arith.addi %mul3A_101, %add3A_102 : i32
      %lt3A_104 = arith.cmpi slt, %add3A_103, %select_n3A : i32
      %convert_element_type3A_105 = arith.extui %lt3A_104 : i1 to i32
      %cond3A_106 = arith.constant 0 : i32
      %cond3A_107 = arith.cmpi ne, %convert_element_type3A_105, %cond3A_106 : i32
      scf.if %cond3A_107 {
        %add3A_117 = arith.addi %add3A_4, %add3A_103 : i32
        %mul3A_118 = arith.constant 12800 : i32
        %mul3A_119 = arith.muli %add3A_117, %mul3A_118 : i32
        %get3A_120 = arith.index_cast %add3A_103 : i32 to index
        %get3A_121 = tpu.vector_load %arg17[%get3A_120] {strides = array<i32>} : memref<96xi32, #tpu.memory_space<vmem>>, vector<16xi32>,
        %slice3A_122 = vector.extract_strided_slice %get3A_121 {offsets = [0], sizes = [1], strides = [1]} : vector<16xi32> to vector<1xi32>
        %squeeze3A_123 = vector.extract %slice3A_122[0] : i32 from vector<1xi32>
        %and3A_124 = arith.constant -8 : i32
        %and3A_125 = arith.andi %squeeze3A_123, %and3A_124 : i32
        %min3A_126 = arith.constant 31987192 : i32
        %min3A_127 = arith.minsi %and3A_125, %min3A_126 : i32
        %multiple_of3A_128 = tpu.assume_multiple %min3A_127, 8 : i32
        %dma_wait3A_129 = tpu.memref_slice %arg2[%mul3A_119] : memref<32000000xf32, #tpu.memory_space<hbm>> -> memref<12800xf32, #tpu.memory_space<hbm>>
        %dma_wait3A_130 = tpu.memref_slice %arg2[%mul3A_119] : memref<32000000xf32, #tpu.memory_space<hbm>> -> memref<12800xf32, #tpu.memory_space<hbm>>
        tpu.wait_dma2 semaphore(%arg19 : memref<!tpu.dma_semaphore, #tpu.memory_space<semaphore_mem>>) src(%dma_wait3A_130 : memref<12800xf32, #tpu.memory_space<hbm>>) dst(%arg8 : memref<12800xf32, #tpu.memory_space<vmem>>)
        %dma_wait3A_131 = arith.constant 0 : i32
        %dma_wait3A_132 = tpu.memref_slice %arg14[%dma_wait3A_131] : memref<12824xf32, #tpu.memory_space<vmem>> -> memref<12808xf32, #tpu.memory_space<vmem>>
        %dma_wait3A_133 = tpu.memref_slice %arg4[%multiple_of3A_128] : memref<32000000xf32, #tpu.memory_space<hbm>> -> memref<12808xf32, #tpu.memory_space<hbm>>
        %dma_wait3A_134 = arith.constant 0 : i32
        %dma_wait3A_135 = tpu.memref_slice %arg14[%dma_wait3A_134] : memref<12824xf32, #tpu.memory_space<vmem>> -> memref<12808xf32, #tpu.memory_space<vmem>>
        %dma_wait3A_136 = tpu.memref_slice %arg4[%multiple_of3A_128] : memref<32000000xf32, #tpu.memory_space<hbm>> -> memref<12808xf32, #tpu.memory_space<hbm>>
        tpu.wait_dma2 semaphore(%arg19 : memref<!tpu.dma_semaphore, #tpu.memory_space<semaphore_mem>>) src(%dma_wait3A_136 : memref<12808xf32, #tpu.memory_space<hbm>>) dst(%dma_wait3A_135 : memref<12808xf32, #tpu.memory_space<vmem>>)
        %dma_wait3A_137 = tpu.memref_slice %arg3[%mul3A_119] : memref<32000000xf32, #tpu.memory_space<hbm>> -> memref<12800xf32, #tpu.memory_space<hbm>>
        %dma_wait3A_138 = tpu.memref_slice %arg3[%mul3A_119] : memref<32000000xf32, #tpu.memory_space<hbm>> -> memref<12800xf32, #tpu.memory_space<hbm>>
        tpu.wait_dma2 semaphore(%arg22 : memref<!tpu.dma_semaphore, #tpu.memory_space<semaphore_mem>>) src(%dma_wait3A_138 : memref<12800xf32, #tpu.memory_space<hbm>>) dst(%arg11 : memref<12800xf32, #tpu.memory_space<vmem>>)
        %add3A_139 = arith.constant 2 : i32
        %add3A_140 = arith.addi %add3A_103, %add3A_139 : i32
        %lt3A_141 = arith.cmpi slt, %add3A_140, %select_n3A : i32
        %convert_element_type3A_142 = arith.extui %lt3A_141 : i1 to i32
        %cond3A_143 = arith.constant 0 : i32
        %cond3A_144 = arith.cmpi ne, %convert_element_type3A_142, %cond3A_143 : i32
        scf.if %cond3A_144 {
          %ge3A = arith.constant 1 : i32
          %ge3A_168 = arith.cmpi sge, %add3A_103, %ge3A : i32
          %convert_element_type3A_169 = arith.extui %ge3A_168 : i1 to i32
          %cond3A_170 = arith.constant 0 : i32
          %cond3A_171 = arith.cmpi ne, %convert_element_type3A_169, %cond3A_170 : i32
          scf.if %cond3A_171 {
            %sub3A_196 = arith.constant 1 : i32
            %sub3A_197 = arith.subi %add3A_103, %sub3A_196 : i32
            %add3A_198 = arith.addi %add3A_4, %sub3A_197 : i32
            %mul3A_199 = arith.constant 12800 : i32
            %mul3A_200 = arith.muli %add3A_198, %mul3A_199 : i32
            %dma_wait3A_201 = tpu.memref_slice %arg6[%mul3A_200] : memref<32000000xf32, #tpu.memory_space<hbm>> -> memref<12800xf32, #tpu.memory_space<hbm>>
            %dma_wait3A_202 = tpu.memref_slice %arg6[%mul3A_200] : memref<32000000xf32, #tpu.memory_space<hbm>> -> memref<12800xf32, #tpu.memory_space<hbm>>
            tpu.wait_dma2 semaphore(%arg24 : memref<!tpu.dma_semaphore, #tpu.memory_space<semaphore_mem>>) src(%arg10 : memref<12800xf32, #tpu.memory_space<vmem>>) dst(%dma_wait3A_202 : memref<12800xf32, #tpu.memory_space<hbm>>)
          } else {
          }
          %add3A_172 = arith.constant 2 : i32
          %add3A_173 = arith.addi %add3A_103, %add3A_172 : i32
          %add3A_174 = arith.addi %add3A_4, %add3A_173 : i32
          %mul3A_175 = arith.constant 12800 : i32
          %mul3A_176 = arith.muli %add3A_174, %mul3A_175 : i32
          %get3A_177 = arith.index_cast %add3A_173 : i32 to index
          %get3A_178 = tpu.vector_load %arg17[%get3A_177] {strides = array<i32>} : memref<96xi32, #tpu.memory_space<vmem>>, vector<16xi32>,
          %slice3A_179 = vector.extract_strided_slice %get3A_178 {offsets = [0], sizes = [1], strides = [1]} : vector<16xi32> to vector<1xi32>
          %squeeze3A_180 = vector.extract %slice3A_179[0] : i32 from vector<1xi32>
          %and3A_181 = arith.constant -8 : i32
          %and3A_182 = arith.andi %squeeze3A_180, %and3A_181 : i32
          %min3A_183 = arith.constant 31987192 : i32
          %min3A_184 = arith.minsi %and3A_182, %min3A_183 : i32
          %multiple_of3A_185 = tpu.assume_multiple %min3A_184, 8 : i32
          %dma_start3A_186 = tpu.memref_slice %arg2[%mul3A_176] : memref<32000000xf32, #tpu.memory_space<hbm>> -> memref<12800xf32, #tpu.memory_space<hbm>>
          %dma_start3A_187 = tpu.memref_slice %arg2[%mul3A_176] : memref<32000000xf32, #tpu.memory_space<hbm>> -> memref<12800xf32, #tpu.memory_space<hbm>>
          tpu.enqueue_dma source(%dma_start3A_187 : memref<12800xf32, #tpu.memory_space<hbm>>) target(%arg7 : memref<12800xf32, #tpu.memory_space<vmem>>) target_semaphore(%arg18 : memref<!tpu.dma_semaphore, #tpu.memory_space<semaphore_mem>>)
          %dma_start3A_188 = arith.constant 0 : i32
          %dma_start3A_189 = tpu.memref_slice %arg13[%dma_start3A_188] : memref<12824xf32, #tpu.memory_space<vmem>> -> memref<12808xf32, #tpu.memory_space<vmem>>
          %dma_start3A_190 = tpu.memref_slice %arg4[%multiple_of3A_185] : memref<32000000xf32, #tpu.memory_space<hbm>> -> memref<12808xf32, #tpu.memory_space<hbm>>
          %dma_start3A_191 = arith.constant 0 : i32
          %dma_start3A_192 = tpu.memref_slice %arg13[%dma_start3A_191] : memref<12824xf32, #tpu.memory_space<vmem>> -> memref<12808xf32, #tpu.memory_space<vmem>>
          %dma_start3A_193 = tpu.memref_slice %arg4[%multiple_of3A_185] : memref<32000000xf32, #tpu.memory_space<hbm>> -> memref<12808xf32, #tpu.memory_space<hbm>>
          tpu.enqueue_dma source(%dma_start3A_193 : memref<12808xf32, #tpu.memory_space<hbm>>) target(%dma_start3A_192 : memref<12808xf32, #tpu.memory_space<vmem>>) target_semaphore(%arg18 : memref<!tpu.dma_semaphore, #tpu.memory_space<semaphore_mem>>)
          %dma_start3A_194 = tpu.memref_slice %arg3[%mul3A_176] : memref<32000000xf32, #tpu.memory_space<hbm>> -> memref<12800xf32, #tpu.memory_space<hbm>>
          %dma_start3A_195 = tpu.memref_slice %arg3[%mul3A_176] : memref<32000000xf32, #tpu.memory_space<hbm>> -> memref<12800xf32, #tpu.memory_space<hbm>>
          tpu.enqueue_dma source(%dma_start3A_195 : memref<12800xf32, #tpu.memory_space<hbm>>) target(%arg10 : memref<12800xf32, #tpu.memory_space<vmem>>) target_semaphore(%arg21 : memref<!tpu.dma_semaphore, #tpu.memory_space<semaphore_mem>>)
        } else {
        }
        %get3A_145 = arith.index_cast %add3A_103 : i32 to index
        %get3A_146 = tpu.vector_load %arg17[%get3A_145] {strides = array<i32>} : memref<96xi32, #tpu.memory_space<vmem>>, vector<16xi32>,
        %slice3A_147 = vector.extract_strided_slice %get3A_146 {offsets = [0], sizes = [1], strides = [1]} : vector<16xi32> to vector<1xi32>
        %squeeze3A_148 = vector.extract %slice3A_147[0] : i32 from vector<1xi32>
        %get3A_149 = arith.index_cast %add3A_103 : i32 to index
        %get3A_150 = tpu.vector_load %arg17[%get3A_149] {strides = array<i32>} : memref<96xi32, #tpu.memory_space<vmem>>, vector<16xi32>,
        %slice3A_151 = vector.extract_strided_slice %get3A_150 {offsets = [0], sizes = [1], strides = [1]} : vector<16xi32> to vector<1xi32>
        %squeeze3A_152 = vector.extract %slice3A_151[0] : i32 from vector<1xi32>
        %and3A_153 = arith.constant -8 : i32
        %and3A_154 = arith.andi %squeeze3A_152, %and3A_153 : i32
        %min3A_155 = arith.constant 31987192 : i32
        %min3A_156 = arith.minsi %and3A_154, %min3A_155 : i32
        %multiple_of3A_157 = tpu.assume_multiple %min3A_156, 8 : i32
        %sub3A = arith.subi %squeeze3A_148, %multiple_of3A_157 : i32
        %add3A_158 = vector.broadcast %sub3A : i32 to vector<16xi32>
        %add3A_159 = arith.addi %broadcast_in_dim3A_7, %add3A_158 : vector<16xi32>
        %parallel_loop3A = arith.constant 0 : i32
        %parallel_loop3A_160 = arith.constant 800 : i32
        %parallel_loop3A_161 = arith.constant 1 : i32
        %parallel_loop3A_162 = scf.for %parallel_loop3A_168 = %parallel_loop3A to %parallel_loop3A_160 step %parallel_loop3A_161 iter_args(%parallel_loop3A_169 = %add3A_159) -> (vector<16xi32>)  : i32 {
          %parallel_loop3A_170 = arith.constant 16 : i32
          %parallel_loop3A_171 = arith.muli %parallel_loop3A_168, %parallel_loop3A_170 : i32
          %parallel_loop3A_172 = arith.index_cast %parallel_loop3A_171 : i32 to index
          %parallel_loop3A_173 = tpu.vector_load %arg8[%parallel_loop3A_172] {strides = array<i32>} : memref<12800xf32, #tpu.memory_space<vmem>>, vector<16xf32>,
          %parallel_loop3A_174 = arith.constant 0.000000e+00 : f32
          %parallel_loop3A_175 = vector.broadcast %parallel_loop3A_174 : f32 to vector<16xf32>
          %parallel_loop3A_176 = arith.cmpf one, %parallel_loop3A_173, %parallel_loop3A_175 : vector<16xf32>
          %parallel_loop3A_177 = vector.extract_strided_slice %parallel_loop3A_169 {offsets = [0], sizes = [1], strides = [1]} : vector<16xi32> to vector<1xi32>
          %parallel_loop3A_178 = vector.extract %parallel_loop3A_177[0] : i32 from vector<1xi32>
          %parallel_loop3A_179 = arith.index_cast %parallel_loop3A_178 : i32 to index
          %parallel_loop3A_180 = tpu.vector_load %arg14[%parallel_loop3A_179] masked %parallel_loop3A_176 {strides = array<i32>} : memref<12824xf32, #tpu.memory_space<vmem>>, vector<16xf32>, vector<16xi1>
          %parallel_loop3A_181 = arith.constant 16 : i32
          %parallel_loop3A_182 = arith.muli %parallel_loop3A_168, %parallel_loop3A_181 : i32
          %parallel_loop3A_183 = vector.broadcast %parallel_loop3A_182 : i32 to vector<16xi32>
          %parallel_loop3A_184 = arith.addi %iota3A, %parallel_loop3A_183 : vector<16xi32>
          tpu.vector_store_idx %arg11[%parallel_loop3A_184], %parallel_loop3A_180 masked %parallel_loop3A_176 : memref<12800xf32, #tpu.memory_space<vmem>>[vector<16xi32>], vector<16xf32>, vector<16xi1>
          %parallel_loop3A_185 = tpu.all_reduce %parallel_loop3A_176 {dim = 0 : i64, kind = #tpu.reduction_kind<sum>} : vector<16xi1> -> vector<16xi32>
          %parallel_loop3A_186 = arith.addi %parallel_loop3A_169, %parallel_loop3A_185 : vector<16xi32>
          scf.yield %parallel_loop3A_186 : vector<16xi32>
        } {sc.loop_unroll_factor = 4 : i64, sc.parallel_access}
        %add3A_163 = arith.addi %add3A_4, %add3A_103 : i32
        %mul3A_164 = arith.constant 12800 : i32
        %mul3A_165 = arith.muli %add3A_163, %mul3A_164 : i32
        %dma_start3A_166 = tpu.memref_slice %arg6[%mul3A_165] : memref<32000000xf32, #tpu.memory_space<hbm>> -> memref<12800xf32, #tpu.memory_space<hbm>>
        %dma_start3A_167 = tpu.memref_slice %arg6[%mul3A_165] : memref<32000000xf32, #tpu.memory_space<hbm>> -> memref<12800xf32, #tpu.memory_space<hbm>>
        tpu.enqueue_dma source(%arg11 : memref<12800xf32, #tpu.memory_space<vmem>>) target(%dma_start3A_167 : memref<12800xf32, #tpu.memory_space<hbm>>) target_semaphore(%arg25 : memref<!tpu.dma_semaphore, #tpu.memory_space<semaphore_mem>>)
      } else {
      }
      %mul3A_108 = arith.constant 3 : i32
      %mul3A_109 = arith.muli %mul3A_108, %scan3A_92 : i32
      %add3A_110 = arith.constant 2 : i32
      %add3A_111 = arith.addi %mul3A_109, %add3A_110 : i32
      %lt3A_112 = arith.cmpi slt, %add3A_111, %select_n3A : i32
      %convert_element_type3A_113 = arith.extui %lt3A_112 : i1 to i32
      %cond3A_114 = arith.constant 0 : i32
      %cond3A_115 = arith.cmpi ne, %convert_element_type3A_113, %cond3A_114 : i32
      scf.if %cond3A_115 {
        %add3A_117 = arith.addi %add3A_4, %add3A_111 : i32
        %mul3A_118 = arith.constant 12800 : i32
        %mul3A_119 = arith.muli %add3A_117, %mul3A_118 : i32
        %get3A_120 = arith.index_cast %add3A_111 : i32 to index
        %get3A_121 = tpu.vector_load %arg17[%get3A_120] {strides = array<i32>} : memref<96xi32, #tpu.memory_space<vmem>>, vector<16xi32>,
        %slice3A_122 = vector.extract_strided_slice %get3A_121 {offsets = [0], sizes = [1], strides = [1]} : vector<16xi32> to vector<1xi32>
        %squeeze3A_123 = vector.extract %slice3A_122[0] : i32 from vector<1xi32>
        %and3A_124 = arith.constant -8 : i32
        %and3A_125 = arith.andi %squeeze3A_123, %and3A_124 : i32
        %min3A_126 = arith.constant 31987192 : i32
        %min3A_127 = arith.minsi %and3A_125, %min3A_126 : i32
        %multiple_of3A_128 = tpu.assume_multiple %min3A_127, 8 : i32
        %dma_wait3A_129 = tpu.memref_slice %arg2[%mul3A_119] : memref<32000000xf32, #tpu.memory_space<hbm>> -> memref<12800xf32, #tpu.memory_space<hbm>>
        %dma_wait3A_130 = tpu.memref_slice %arg2[%mul3A_119] : memref<32000000xf32, #tpu.memory_space<hbm>> -> memref<12800xf32, #tpu.memory_space<hbm>>
        tpu.wait_dma2 semaphore(%arg20 : memref<!tpu.dma_semaphore, #tpu.memory_space<semaphore_mem>>) src(%dma_wait3A_130 : memref<12800xf32, #tpu.memory_space<hbm>>) dst(%arg9 : memref<12800xf32, #tpu.memory_space<vmem>>)
        %dma_wait3A_131 = arith.constant 0 : i32
        %dma_wait3A_132 = tpu.memref_slice %arg15[%dma_wait3A_131] : memref<12824xf32, #tpu.memory_space<vmem>> -> memref<12808xf32, #tpu.memory_space<vmem>>
        %dma_wait3A_133 = tpu.memref_slice %arg4[%multiple_of3A_128] : memref<32000000xf32, #tpu.memory_space<hbm>> -> memref<12808xf32, #tpu.memory_space<hbm>>
        %dma_wait3A_134 = arith.constant 0 : i32
        %dma_wait3A_135 = tpu.memref_slice %arg15[%dma_wait3A_134] : memref<12824xf32, #tpu.memory_space<vmem>> -> memref<12808xf32, #tpu.memory_space<vmem>>
        %dma_wait3A_136 = tpu.memref_slice %arg4[%multiple_of3A_128] : memref<32000000xf32, #tpu.memory_space<hbm>> -> memref<12808xf32, #tpu.memory_space<hbm>>
        tpu.wait_dma2 semaphore(%arg20 : memref<!tpu.dma_semaphore, #tpu.memory_space<semaphore_mem>>) src(%dma_wait3A_136 : memref<12808xf32, #tpu.memory_space<hbm>>) dst(%dma_wait3A_135 : memref<12808xf32, #tpu.memory_space<vmem>>)
        %dma_wait3A_137 = tpu.memref_slice %arg3[%mul3A_119] : memref<32000000xf32, #tpu.memory_space<hbm>> -> memref<12800xf32, #tpu.memory_space<hbm>>
        %dma_wait3A_138 = tpu.memref_slice %arg3[%mul3A_119] : memref<32000000xf32, #tpu.memory_space<hbm>> -> memref<12800xf32, #tpu.memory_space<hbm>>
        tpu.wait_dma2 semaphore(%arg23 : memref<!tpu.dma_semaphore, #tpu.memory_space<semaphore_mem>>) src(%dma_wait3A_138 : memref<12800xf32, #tpu.memory_space<hbm>>) dst(%arg12 : memref<12800xf32, #tpu.memory_space<vmem>>)
        %add3A_139 = arith.constant 2 : i32
        %add3A_140 = arith.addi %add3A_111, %add3A_139 : i32
        %lt3A_141 = arith.cmpi slt, %add3A_140, %select_n3A : i32
        %convert_element_type3A_142 = arith.extui %lt3A_141 : i1 to i32
        %cond3A_143 = arith.constant 0 : i32
        %cond3A_144 = arith.cmpi ne, %convert_element_type3A_142, %cond3A_143 : i32
        scf.if %cond3A_144 {
          %ge3A = arith.constant 1 : i32
          %ge3A_168 = arith.cmpi sge, %add3A_111, %ge3A : i32
          %convert_element_type3A_169 = arith.extui %ge3A_168 : i1 to i32
          %cond3A_170 = arith.constant 0 : i32
          %cond3A_171 = arith.cmpi ne, %convert_element_type3A_169, %cond3A_170 : i32
          scf.if %cond3A_171 {
            %sub3A_196 = arith.constant 1 : i32
            %sub3A_197 = arith.subi %add3A_111, %sub3A_196 : i32
            %add3A_198 = arith.addi %add3A_4, %sub3A_197 : i32
            %mul3A_199 = arith.constant 12800 : i32
            %mul3A_200 = arith.muli %add3A_198, %mul3A_199 : i32
            %dma_wait3A_201 = tpu.memref_slice %arg6[%mul3A_200] : memref<32000000xf32, #tpu.memory_space<hbm>> -> memref<12800xf32, #tpu.memory_space<hbm>>
            %dma_wait3A_202 = tpu.memref_slice %arg6[%mul3A_200] : memref<32000000xf32, #tpu.memory_space<hbm>> -> memref<12800xf32, #tpu.memory_space<hbm>>
            tpu.wait_dma2 semaphore(%arg25 : memref<!tpu.dma_semaphore, #tpu.memory_space<semaphore_mem>>) src(%arg11 : memref<12800xf32, #tpu.memory_space<vmem>>) dst(%dma_wait3A_202 : memref<12800xf32, #tpu.memory_space<hbm>>)
          } else {
          }
          %add3A_172 = arith.constant 2 : i32
          %add3A_173 = arith.addi %add3A_111, %add3A_172 : i32
          %add3A_174 = arith.addi %add3A_4, %add3A_173 : i32
          %mul3A_175 = arith.constant 12800 : i32
          %mul3A_176 = arith.muli %add3A_174, %mul3A_175 : i32
          %get3A_177 = arith.index_cast %add3A_173 : i32 to index
          %get3A_178 = tpu.vector_load %arg17[%get3A_177] {strides = array<i32>} : memref<96xi32, #tpu.memory_space<vmem>>, vector<16xi32>,
          %slice3A_179 = vector.extract_strided_slice %get3A_178 {offsets = [0], sizes = [1], strides = [1]} : vector<16xi32> to vector<1xi32>
          %squeeze3A_180 = vector.extract %slice3A_179[0] : i32 from vector<1xi32>
          %and3A_181 = arith.constant -8 : i32
          %and3A_182 = arith.andi %squeeze3A_180, %and3A_181 : i32
          %min3A_183 = arith.constant 31987192 : i32
          %min3A_184 = arith.minsi %and3A_182, %min3A_183 : i32
          %multiple_of3A_185 = tpu.assume_multiple %min3A_184, 8 : i32
          %dma_start3A_186 = tpu.memref_slice %arg2[%mul3A_176] : memref<32000000xf32, #tpu.memory_space<hbm>> -> memref<12800xf32, #tpu.memory_space<hbm>>
          %dma_start3A_187 = tpu.memref_slice %arg2[%mul3A_176] : memref<32000000xf32, #tpu.memory_space<hbm>> -> memref<12800xf32, #tpu.memory_space<hbm>>
          tpu.enqueue_dma source(%dma_start3A_187 : memref<12800xf32, #tpu.memory_space<hbm>>) target(%arg8 : memref<12800xf32, #tpu.memory_space<vmem>>) target_semaphore(%arg19 : memref<!tpu.dma_semaphore, #tpu.memory_space<semaphore_mem>>)
          %dma_start3A_188 = arith.constant 0 : i32
          %dma_start3A_189 = tpu.memref_slice %arg14[%dma_start3A_188] : memref<12824xf32, #tpu.memory_space<vmem>> -> memref<12808xf32, #tpu.memory_space<vmem>>
          %dma_start3A_190 = tpu.memref_slice %arg4[%multiple_of3A_185] : memref<32000000xf32, #tpu.memory_space<hbm>> -> memref<12808xf32, #tpu.memory_space<hbm>>
          %dma_start3A_191 = arith.constant 0 : i32
          %dma_start3A_192 = tpu.memref_slice %arg14[%dma_start3A_191] : memref<12824xf32, #tpu.memory_space<vmem>> -> memref<12808xf32, #tpu.memory_space<vmem>>
          %dma_start3A_193 = tpu.memref_slice %arg4[%multiple_of3A_185] : memref<32000000xf32, #tpu.memory_space<hbm>> -> memref<12808xf32, #tpu.memory_space<hbm>>
          tpu.enqueue_dma source(%dma_start3A_193 : memref<12808xf32, #tpu.memory_space<hbm>>) target(%dma_start3A_192 : memref<12808xf32, #tpu.memory_space<vmem>>) target_semaphore(%arg19 : memref<!tpu.dma_semaphore, #tpu.memory_space<semaphore_mem>>)
          %dma_start3A_194 = tpu.memref_slice %arg3[%mul3A_176] : memref<32000000xf32, #tpu.memory_space<hbm>> -> memref<12800xf32, #tpu.memory_space<hbm>>
          %dma_start3A_195 = tpu.memref_slice %arg3[%mul3A_176] : memref<32000000xf32, #tpu.memory_space<hbm>> -> memref<12800xf32, #tpu.memory_space<hbm>>
          tpu.enqueue_dma source(%dma_start3A_195 : memref<12800xf32, #tpu.memory_space<hbm>>) target(%arg11 : memref<12800xf32, #tpu.memory_space<vmem>>) target_semaphore(%arg22 : memref<!tpu.dma_semaphore, #tpu.memory_space<semaphore_mem>>)
        } else {
        }
        %get3A_145 = arith.index_cast %add3A_111 : i32 to index
        %get3A_146 = tpu.vector_load %arg17[%get3A_145] {strides = array<i32>} : memref<96xi32, #tpu.memory_space<vmem>>, vector<16xi32>,
        %slice3A_147 = vector.extract_strided_slice %get3A_146 {offsets = [0], sizes = [1], strides = [1]} : vector<16xi32> to vector<1xi32>
        %squeeze3A_148 = vector.extract %slice3A_147[0] : i32 from vector<1xi32>
        %get3A_149 = arith.index_cast %add3A_111 : i32 to index
        %get3A_150 = tpu.vector_load %arg17[%get3A_149] {strides = array<i32>} : memref<96xi32, #tpu.memory_space<vmem>>, vector<16xi32>,
        %slice3A_151 = vector.extract_strided_slice %get3A_150 {offsets = [0], sizes = [1], strides = [1]} : vector<16xi32> to vector<1xi32>
        %squeeze3A_152 = vector.extract %slice3A_151[0] : i32 from vector<1xi32>
        %and3A_153 = arith.constant -8 : i32
        %and3A_154 = arith.andi %squeeze3A_152, %and3A_153 : i32
        %min3A_155 = arith.constant 31987192 : i32
        %min3A_156 = arith.minsi %and3A_154, %min3A_155 : i32
        %multiple_of3A_157 = tpu.assume_multiple %min3A_156, 8 : i32
        %sub3A = arith.subi %squeeze3A_148, %multiple_of3A_157 : i32
        %add3A_158 = vector.broadcast %sub3A : i32 to vector<16xi32>
        %add3A_159 = arith.addi %broadcast_in_dim3A_7, %add3A_158 : vector<16xi32>
        %parallel_loop3A = arith.constant 0 : i32
        %parallel_loop3A_160 = arith.constant 800 : i32
        %parallel_loop3A_161 = arith.constant 1 : i32
        %parallel_loop3A_162 = scf.for %parallel_loop3A_168 = %parallel_loop3A to %parallel_loop3A_160 step %parallel_loop3A_161 iter_args(%parallel_loop3A_169 = %add3A_159) -> (vector<16xi32>)  : i32 {
          %parallel_loop3A_170 = arith.constant 16 : i32
          %parallel_loop3A_171 = arith.muli %parallel_loop3A_168, %parallel_loop3A_170 : i32
          %parallel_loop3A_172 = arith.index_cast %parallel_loop3A_171 : i32 to index
          %parallel_loop3A_173 = tpu.vector_load %arg9[%parallel_loop3A_172] {strides = array<i32>} : memref<12800xf32, #tpu.memory_space<vmem>>, vector<16xf32>,
          %parallel_loop3A_174 = arith.constant 0.000000e+00 : f32
          %parallel_loop3A_175 = vector.broadcast %parallel_loop3A_174 : f32 to vector<16xf32>
          %parallel_loop3A_176 = arith.cmpf one, %parallel_loop3A_173, %parallel_loop3A_175 : vector<16xf32>
          %parallel_loop3A_177 = vector.extract_strided_slice %parallel_loop3A_169 {offsets = [0], sizes = [1], strides = [1]} : vector<16xi32> to vector<1xi32>
          %parallel_loop3A_178 = vector.extract %parallel_loop3A_177[0] : i32 from vector<1xi32>
          %parallel_loop3A_179 = arith.index_cast %parallel_loop3A_178 : i32 to index
          %parallel_loop3A_180 = tpu.vector_load %arg15[%parallel_loop3A_179] masked %parallel_loop3A_176 {strides = array<i32>} : memref<12824xf32, #tpu.memory_space<vmem>>, vector<16xf32>, vector<16xi1>
          %parallel_loop3A_181 = arith.constant 16 : i32
          %parallel_loop3A_182 = arith.muli %parallel_loop3A_168, %parallel_loop3A_181 : i32
          %parallel_loop3A_183 = vector.broadcast %parallel_loop3A_182 : i32 to vector<16xi32>
          %parallel_loop3A_184 = arith.addi %iota3A, %parallel_loop3A_183 : vector<16xi32>
          tpu.vector_store_idx %arg12[%parallel_loop3A_184], %parallel_loop3A_180 masked %parallel_loop3A_176 : memref<12800xf32, #tpu.memory_space<vmem>>[vector<16xi32>], vector<16xf32>, vector<16xi1>
          %parallel_loop3A_185 = tpu.all_reduce %parallel_loop3A_176 {dim = 0 : i64, kind = #tpu.reduction_kind<sum>} : vector<16xi1> -> vector<16xi32>
          %parallel_loop3A_186 = arith.addi %parallel_loop3A_169, %parallel_loop3A_185 : vector<16xi32>
          scf.yield %parallel_loop3A_186 : vector<16xi32>
        } {sc.loop_unroll_factor = 4 : i64, sc.parallel_access}
        %add3A_163 = arith.addi %add3A_4, %add3A_111 : i32
        %mul3A_164 = arith.constant 12800 : i32
        %mul3A_165 = arith.muli %add3A_163, %mul3A_164 : i32
        %dma_start3A_166 = tpu.memref_slice %arg6[%mul3A_165] : memref<32000000xf32, #tpu.memory_space<hbm>> -> memref<12800xf32, #tpu.memory_space<hbm>>
        %dma_start3A_167 = tpu.memref_slice %arg6[%mul3A_165] : memref<32000000xf32, #tpu.memory_space<hbm>> -> memref<12800xf32, #tpu.memory_space<hbm>>
        tpu.enqueue_dma source(%arg12 : memref<12800xf32, #tpu.memory_space<vmem>>) target(%dma_start3A_167 : memref<12800xf32, #tpu.memory_space<hbm>>) target_semaphore(%arg26 : memref<!tpu.dma_semaphore, #tpu.memory_space<semaphore_mem>>)
      } else {
      }
      %scan3A_116 = arith.constant 0 : i32
      scf.yield %scan3A_116 : i32
    }
    %scan3A_74 = arith.constant 27 : i32
    %add3A_75 = arith.constant 0 : i32
    %add3A_76 = arith.addi %add3A_4, %add3A_75 : i32
    %mul3A_77 = arith.constant 12800 : i32
    %mul3A_78 = arith.muli %add3A_76, %mul3A_77 : i32
    %dma_wait3A = tpu.memref_slice %arg6[%mul3A_78] : memref<32000000xf32, #tpu.memory_space<hbm>> -> memref<12800xf32, #tpu.memory_space<hbm>>
    %dma_wait3A_79 = tpu.memref_slice %arg6[%mul3A_78] : memref<32000000xf32, #tpu.memory_space<hbm>> -> memref<12800xf32, #tpu.memory_space<hbm>>
    tpu.wait_dma2 semaphore(%arg24 : memref<!tpu.dma_semaphore, #tpu.memory_space<semaphore_mem>>) src(%arg10 : memref<12800xf32, #tpu.memory_space<vmem>>) dst(%dma_wait3A_79 : memref<12800xf32, #tpu.memory_space<hbm>>)
    %add3A_80 = arith.constant 0 : i32
    %add3A_81 = arith.addi %add3A_4, %add3A_80 : i32
    %mul3A_82 = arith.constant 12800 : i32
    %mul3A_83 = arith.muli %add3A_81, %mul3A_82 : i32
    %dma_wait3A_84 = tpu.memref_slice %arg6[%mul3A_83] : memref<32000000xf32, #tpu.memory_space<hbm>> -> memref<12800xf32, #tpu.memory_space<hbm>>
    %dma_wait3A_85 = tpu.memref_slice %arg6[%mul3A_83] : memref<32000000xf32, #tpu.memory_space<hbm>> -> memref<12800xf32, #tpu.memory_space<hbm>>
    tpu.wait_dma2 semaphore(%arg25 : memref<!tpu.dma_semaphore, #tpu.memory_space<semaphore_mem>>) src(%arg11 : memref<12800xf32, #tpu.memory_space<vmem>>) dst(%dma_wait3A_85 : memref<12800xf32, #tpu.memory_space<hbm>>)
    %add3A_86 = arith.constant 0 : i32
    %add3A_87 = arith.addi %add3A_4, %add3A_86 : i32
    %mul3A_88 = arith.constant 12800 : i32
    %mul3A_89 = arith.muli %add3A_87, %mul3A_88 : i32
    %dma_wait3A_90 = tpu.memref_slice %arg6[%mul3A_89] : memref<32000000xf32, #tpu.memory_space<hbm>> -> memref<12800xf32, #tpu.memory_space<hbm>>
    %dma_wait3A_91 = tpu.memref_slice %arg6[%mul3A_89] : memref<32000000xf32, #tpu.memory_space<hbm>> -> memref<12800xf32, #tpu.memory_space<hbm>>
    tpu.wait_dma2 semaphore(%arg26 : memref<!tpu.dma_semaphore, #tpu.memory_space<semaphore_mem>>) src(%arg12 : memref<12800xf32, #tpu.memory_space<vmem>>) dst(%dma_wait3A_91 : memref<12800xf32, #tpu.memory_space<hbm>>)
    return
  }
}

</mosaic_0001>

<sc_bundles>
// kernel: kernel.4.cloned.1.call-start
scs
__scs_entry_jumppad:
0x0: {  	(pc) =	sbr.rel $0x88, $3  }
0x1: {  	(tag) =	ssettag $0x0;
	lr =	simm.s32 $0x1  }
0x2: {  	[smem:$0x3F9E] =	sst lr;
	_ =	strace $0xD0000000  }
0x3: {  	_ = 	snop  }
0x4: {  	_ = 	snop  }
0x5: {  	_ = 	snop  }
0x6: {  	_ = 	snop  }
0x7: {  	_ = 	snop  }
__scs_overlays_trampoline_lowered:
0x8: {  	[smem:$0x3FAD] =	sst s0  }
0x9: {  	[smem:$0x3FAE] =	sst s1  }
0xa: {  	[smem:$0x3FAF] =	sst s2  }
0xb: {  	[smem:$0x3FB0] =	sst s3  }
0xc: {  	[smem:$0x3FB1] =	sst s4  }
0xd: {  	[smem:$0x3FB2] =	sst s5  }
0xe: {  	[smem:$0x3FB3] =	sst s6  }
0xf: {  	[smem:$0x3FB4] =	sst s7  }
0x10: {  	[smem:$0x3FB5] =	sst s8  }
0x11: {  	[smem:$0x3FB6] =	sst s9;
	s0 =	simm.s32 @!p0 $0x0  }
0x12: {  	s1 =	sld [smem:$0x3F9C];
	s0 =	simm.s32 @p0 $0x1  }
0x13: {  	[smem:$0x3FB7] =	sst s0;
	s0 =	simm.s32 @!p1 $0x0  }
0x14: {  	s2 =	sld [smem:$0x3F9B];
	s0 =	simm.s32 @p1 $0x1  }
0x15: {  	[smem:$0x3FB8] =	sst s0;
	s0 =	simm.s32 @!p2 $0x0  }
0x16: {  	s3 =	sld [smem:$0x3FDB];
	s0 =	simm.s32 @p2 $0x1  }
0x17: {  	s4 =	simm.s32 $0x1BF5;
	[smem:$0x3FBA] =	sst s0  }
0x18: {  	s0 =	sld [smem:$0x3F9D];
	_ =	swait.ge [sflag:s4], $0x0  }
0x19: {  	s7 =	sld [smem:$0x3F9E]  }
0x1a: {  	s8 =	sadd.s32 $0xFFFFE003, lr  }
0x1b: {  	s9 =	sadd.s32 $0xFFFFFEF7, lr;
	s5 =	simm.s32 $0xFFFFFFFF;
	p2 =	slt.u32 s8, $0xFFFFF086  }
0x1c: {  	p1 =	slt.u32 s9, $0xF7A;
	s5 =	simm.s32 @!p2 $0x0  }
0x1d: {  	s5 =	simm.s32 @p1 $0x1;
	p0 =	seq.s32 s7, s2  }
0x1e: {  	s7 =	smul.u32 @!p0 $0xF7A, s2;
	p2 =	seq.s32 @!p0 s5, $0x0  }
0x1f: {  	s9 =	smul.u32 $0xF7A, s1;
	s8 =	simm.s32 @!p0 $0x1BF5;
	p2 =	por !p2, p0  }
0x20: {  	[sflag:s8] =	ssyncset.s32 @!p0 $0xFFFFF086;
	s6 =	sadd.s32 @!p0 s3, s7;
	s7 =	simm.s32 @!p0 $0x108  }
0x21: {  	s3 =	sadd.s32 s3, s9;
	s6 =	sadd.s32 @!p0 $0x88, s6;
	s7 =	simm.s32 @p2 $0x1082  }
0x22: {  	[simem:s7], [sflag:s8] =	dma.local @!p0 [hbm:s6], $0xF7A  }
0x23: {  	s9 =	sor.u32 $0xD0000000, s2;
	s6 =	simm.s32 $0x108;
	_ =	swait.ge @!p0 [sflag:s8], $0x0  }
0x24: {  	s3 =	sadd.s32 $0x88, s3;
	s6 =	simm.s32 @!p1 $0x1082;
	[sflag:s4] =	ssyncset.s32 $0xFFFFF086  }
0x25: {  	[simem:s6], [sflag:s4] =	dma.local [hbm:s3], $0xF7A  }
0x26: {  	[smem:$0x3F9E] =	sst s1;
	(tag) =	ssettag s2;
	_ =	strace s9  }
0x27: {  	s1 =	sld [smem:$0x3FAE]  }
0x28: {  	s2 =	sld [smem:$0x3FAF]  }
0x29: {  	s4 =	sld [smem:$0x3FB1]  }
0x2a: {  	p0 =	seq.s32 s5, $0x0;
	s5 =	sld [smem:$0x3FB2]  }
0x2b: {  	s6 =	sld [smem:$0x3FB3]  }
0x2c: {  	s7 =	sld [smem:$0x3FB4]  }
0x2d: {  	s3 =	simm.s32 $0x108;
	s8 =	sld [smem:$0x3FB5]  }
0x2e: {  	s3 =	simm.s32 @!p0 $0x1082;
	s9 =	sld [smem:$0x3FB6]  }
0x2f: {  	lr =	sadd.s32 s0, s3;
	s0 =	sld [smem:$0x3FAD]  }
0x30: {  	s3 =	sld [smem:$0x3FB0]  }
0x31: {  	[smem:$0x3FB9] =	sst s10  }
0x32: {  	s10 =	sld [smem:$0x3FB7];
	_ =	sdelay $0x3  }
0x33: {  	p0 =	seq.s32 s10, $0x1;
	s10 =	sld [smem:$0x3FB9];
	_ =	sdelay $0x3  }
0x34: {  	[smem:$0x3FB9] =	sst s10  }
0x35: {  	s10 =	sld [smem:$0x3FB8];
	_ =	sdelay $0x3  }
0x36: {  	p1 =	seq.s32 s10, $0x1;
	s10 =	sld [smem:$0x3FB9];
	_ =	sdelay $0x3  }
0x37: {  	[smem:$0x3FB9] =	sst s10  }
0x38: {  	s10 =	sld [smem:$0x3FBA]  }
0x39: {  	_ = 	snop;
	(pc) =	sbr.ind lr, $3  }
0x3a: {  	_ = 	snop  }
0x3b: {  	_ = 	snop  }
0x3c: {  	p2 =	seq.s32 s10, $0x1;
	s10 =	sld [smem:$0x3FB9]  }
0x3d: {  	_ =	shalt  }
0x3e: {  	_ =	shalt  }
0x3f: {  	_ =	shalt  }
0x40: {  	_ =	shalt  }
0x41: {  	_ =	shalt  }
0x42: {  	_ =	shalt  }
0x43: {  	_ =	shalt  }
0x44: {  	_ =	shalt  }
0x45: {  	_ =	shalt  }
0x46: {  	_ =	shalt  }
0x47: {  	_ =	shalt  }
0x48: {  	_ =	shalt  }
0x49: {  	_ =	shalt  }
0x4a: {  	_ =	shalt  }
0x4b: {  	_ =	shalt  }
0x4c: {  	_ =	shalt  }
0x4d: {  	_ =	shalt  }
0x4e: {  	_ =	shalt  }
0x4f: {  	_ =	shalt  }
0x50: {  	_ =	shalt  }
0x51: {  	_ =	shalt  }
0x52: {  	_ =	shalt  }
0x53: {  	_ =	shalt  }
0x54: {  	_ =	shalt  }
0x55: {  	_ =	shalt  }
0x56: {  	_ =	shalt  }
0x57: {  	_ =	shalt  }
0x58: {  	_ =	shalt  }
0x59: {  	_ =	shalt  }
0x5a: {  	_ =	shalt  }
0x5b: {  	_ =	shalt  }
0x5c: {  	_ =	shalt  }
0x5d: {  	_ =	shalt  }
0x5e: {  	_ =	shalt  }
0x5f: {  	_ =	shalt  }
0x60: {  	_ =	shalt  }
0x61: {  	_ =	shalt  }
0x62: {  	_ =	shalt  }
0x63: {  	_ =	shalt  }
0x64: {  	_ =	shalt  }
0x65: {  	_ =	shalt  }
0x66: {  	_ =	shalt  }
0x67: {  	_ =	shalt  }
0x68: {  	_ =	shalt  }
0x69: {  	_ =	shalt  }
0x6a: {  	_ =	shalt  }
0x6b: {  	_ =	shalt  }
0x6c: {  	_ =	shalt  }
0x6d: {  	_ =	shalt  }
0x6e: {  	_ =	shalt  }
0x6f: {  	_ =	shalt  }
0x70: {  	_ =	shalt  }
0x71: {  	_ =	shalt  }
0x72: {  	_ =	shalt  }
0x73: {  	_ =	shalt  }
0x74: {  	_ =	shalt  }
0x75: {  	_ =	shalt  }
0x76: {  	_ =	shalt  }
0x77: {  	_ =	shalt  }
0x78: {  	_ =	shalt  }
0x79: {  	_ =	shalt  }
0x7a: {  	_ =	shalt  }
0x7b: {  	_ =	shalt  }
0x7c: {  	_ =	shalt  }
0x7d: {  	_ =	shalt  }
0x7e: {  	_ =	shalt  }
0x7f: {  	_ =	shalt  }
0x80: {  	_ =	shalt  }
0x81: {  	_ =	shalt  }
0x82: {  	_ =	shalt  }
0x83: {  	_ =	shalt  }
0x84: {  	_ =	shalt  }
0x85: {  	_ =	shalt  }
0x86: {  	_ =	shalt  }
0x87: {  	_ =	shalt  }
.Lfunc_end0:
.L_simem_size_0:
called_computation_lowered:
.L_overlay_start_0:
0x88: {  	s2 =	sld [smem:$0x3FD9]  }
0x89: {  	s3 =	sld [smem:$0x3FFE];
	_ =	sdelay $0x1  }
0x8a: {  	s1 =	srdreg.scid  }
0x8b: {  	s0 =	sand.u32 $0x1, s1  }
0x8c: {  	s16 =	sshll.u32 s0, $0xA;
	s2 =	sadd.s32 s3, s2  }
0x8d: {  	s2 =	sadd.s32 s2, s16  }
0x8e: {  	[smem:$0x3FC5] =	sst s2  }
0x8f: {  	_ = 	snop  }
0x90: {  	(tm) =	ssettm $0x1  }
0x91: {  	s17 =	sld [smem:$0x3FFB];
	_ =	sdelay $0x3  }
0x92: {  	_ =	strace s17  }
0x93: {  	s2 =	sld [smem:$0x3FFC];
	_ =	sdelay $0x3  }
0x94: {  	_ =	strace s2  }
0x95: {  	s2 =	sld [smem:$0x3FFD];
	_ =	sdelay $0x3  }
0x96: {  	_ =	strace s2  }
0x97: {  	_ =	strace $0x8FFFFFFF  }
0x98: {  	s18 =	sld [smem:$0x3FDB];
	_ =	sdelay $0x1  }
0x99: {  	s19 =	simm.s32 $_scs_section_size  }
0x9a: {  	s4 =	simm.s32 $_size__tile_overlayer_lowered;
	s5 =	simm.s32 $_tile_overlayer_lowered  }
0x9b: {  	s22 =	simm.s32 $0x1BFF;
	s21 =	sshll.u32 s5, $0x1;
	s2 =	sadd.s32 s19, s18  }
0x9c: {  	s6 =	simm.s32 $0x0;
	s20 =	sshll.u32 s4, $0x1;
	s4 =	sadd.s32 s21, s2  }
0x9d: {  	[timem:s6], [sflag:s22] =	dma.local [hbm:s4], s20  }
0x9e: {  	_ =	swait.ge [sflag:s22], s20  }
0x9f: {  	s3 =	ssub.s32 $0x0, s20;
	[sflag:s22] =	ssyncset.done $0x0  }
0xa0: {  	[sflag:s22] =	ssyncadd.s32 s3;
	_ =	sdelay $0x1  }
0xa1: {  	s23 =	simm.s32 $0x1B8B  }
0xa2: {  	_ =	swait.ge [sflag:s23], $0x1  }
0xa3: {  	[sflag:s23] =	ssyncset.done $0x0  }
0xa4: {  	s25 =	simm.s32 $0x1B8E;
	s24 =	sld [smem:$0x3FFE];
	[sflag:s23] =	ssyncadd.s32 $0xFFFFFFFF  }
0xa5: {  	s26 =	simm.s32 $execute0_lowered;
	[smem:$0x3FD2] =	sst s25  }
0xa6: {  	s4 =	sshll.u32 s26, $0x1;
	_ =	strace $0x80000046;
	[dreg:$0x1] =	wrdreg $0xFFFFFFFF  }
0xa7: {  	s28 =	simm.s32 $_size_execute0_lowered;
	s2 =	sadd.s32 s2, s4;
	[dreg:$0x0] =	wrdreg $0x0  }
0xa8: {  	s4 =	sshll.u32 s28, $0x1;
	[dreg:$0x2] =	wrdreg s2  }
0xa9: {  	[dreg:$0x3] =	wrdreg s4  }
0xaa: {  	[dreg:$0x4] =	wrdreg $0xC0  }
0xab: {  	_ =	task [dreg:s6], $0x5FFFF  }
0xac: {  	[dreg:$0x1] =	wrdreg $0xFFFFFFFF  }
0xad: {  	[dreg:$0x0] =	wrdreg $0x60  }
0xae: {  	[dreg:$0x2] =	wrdreg s24  }
0xaf: {  	[dreg:$0x3] =	wrdreg $0x9  }
0xb0: {  	_ =	task.clear_ibuf [dreg:s6], $0x4FFFF;
	_ =	strace $0x90000046  }
0xb1: {  	s29 =	simm.s32 $0x9;
	_ =	strace $0x80000048  }
0xb2: {  	_ =	swait.ge [sflag:s29], $0x1  }
0xb3: {  	[sflag:s29] =	ssyncadd.s32 $0xFFFFFFFF  }
0xb4: {  	_ =	strace $0x90000048  }
0xb5: {  	_ =	sfence  }
0xb6: {  	s30 =	sld [smem:$0x0];
	_ =	sdelay $0x2  }
0xb7: {  	s31 =	sshll.u32 s1, $0xD;
	s1 =	sshrl.u32 s1, $0x2  }
0xb8: {  	s3 =	sand.u32 $0x4000, s31;
	s1 =	sadd.s32 s1, s30  }
0xb9: {  	s0 =	sor.u32 s3, s0;
	s1 =	sshll.u32 s1, $0x11  }
0xba: {  	s0 =	sor.u32 s1, s0  }
0xbb: {  	s0 =	sadd.s32 $0x8F2B, s0  }
0xbc: {  	[sflag:s0] =	ssyncadd.remote.s32 $0x1  }
0xbd: {  	_ =	sfence.sel $0xFFFF  }
0xbe: {  	[dreg:$0x0] =	wrdreg $0xFFFFFFFF;
	(pc) =	sbr.abs _section_cstart, $3  }
0xbf: {  	[dreg:$0x1] =	wrdreg $0xFFFFFFFF  }
0xc0: {  	_ =	task.clear_ibuf [dreg:s6], $0x2FFFF;
	_ =	strace $0x9FFFFFFF  }
0xc1: {  	(tm) =	ssettm $0x7FFFFFFF  }
tec
execute0_lowered:
.L_overlay_start_1:
0x0: {  	(tag) =	ssettag $0x1  }
0x1: {  	s1 =	srdreg.scid;
	s0 =	stileid.u32  }
0x2: {  	s5 =	rddreg [dreg:$0x0];
	s2 =	simm.s32 $0x0;
	s10 =	simm.s32 $0x6400  }
0x3: {  	s11 =	simm.s32 $0x2;
	s4 =	sand.u32 $0x1, s1;
	s3 =	sshll.u32 s0, $0x1  }
0x4: {  	s12 =	simm.s32 $0x3;
	s1 =	rddreg [dreg:$0x1];
	s3 =	sor.u32 s4, s3  }
0x5: {  	s13 =	simm.s32 $0x0;
	[smem:$0x7FF] =	sst s2;
	s6 =	smul.u32 $0x4E, s3  }
0x6: {  	p0 =	slt.u32 s0, $0x2;
	_ =	strace $0x80000047;
	s7 =	smul.u32 $0xA, s3  }
.Ltmp0:
0x7: {  	s9 =	ssub.s32 $0x2, s4;
	s8 =	smin.u32 s3, $0x4;
	(pc) =	sbr.rel .LBB2_1-.Ltmp0, $4  }
0x8: {  	s3 =	sadd.s32 $0x800, s5;
	s30 =	sshrl.u32 s9, $0x1;
	s4 =	sadd.s32 s8, s6  }
0x9: {  	s31 =	ssub.s32 s9, s30;
	s9 =	simm.s32 $0x1;
	s6 =	smul.u32 $0x640, s4  }
0xa: {  	s7 =	sadd.s32 s7, s5;
	s5 =	simm.s32 $0x4F;
	s8 =	smax.u32 s31, $0x1  }
0xb: {  	v0 =	vimm.s32 $0x0;
	s5 =	simm.s32 @!p0 $0x4E;
	s7 =	sadd.s32 $0x3D1200, s7;
	s6 =	sadd.s32 s3, s6  }
.LBB2_11:
0xc: {  	s13 =	sadd.s32 $0x1, s13  }
0xd: {  	p0 =	sne.s32 s13, s8  }
.Ltmp1:
0xe: {  	_ = 	snop;
	(pc) =	sbr.rel @!p0 .LBB2_12-.Ltmp1, $4  }
0xf: {  	[hbm4b:s7+s2] =	stream.linear.scatter [tilespmem:s10], [sflag:$0x3], $0x50, $0x38;
	[tilespmem:$0x6480] =	vst v63  }
0x10: {  	_ =	swait.ge [sflag:s12], $0x50  }
0x11: {  	[sflag:s12] =	ssyncset.done $0x0  }
0x12: {  	[sflag:s12] =	ssyncadd.s32 $0xFFFFFFB0  }
.LBB2_1:
0x13: {  	[tilespmem:$0x6400] =	vst v0  }
.Ltmp2:
0x14: {  	[tilespmem:$0x6410] =	vst v0;
	(pc) =	sbr.rel .LBB2_2-.Ltmp2, $4  }
0x15: {  	[tilespmem:$0x6420] =	vst v0  }
0x16: {  	[tilespmem:$0x6430] =	vst v0  }
0x17: {  	[tilespmem:$0x6440] =	vst v0;
	s14 =	simm.s32 $0x0  }
0x18: {  	[tilespmem:s2], [sflag:$0x1] =	stream.linear.gather [hbm4b:s6+s2], $0x3200, $0x38;
	[tilespmem:$0x6480] =	vst v63  }
.LBB2_10:
0x19: {  	s14 =	sadd.s32 $0x1, s14  }
0x1a: {  	p0 =	sne.s32 s14, $0x28  }
.Ltmp3:
0x1b: {  	_ = 	snop;
	(pc) =	sbr.rel @!p0 .LBB2_11-.Ltmp3, $1  }
0x1c: {  	_ =	sdelay $0x3  }
.LBB2_2:
0x1d: {  	s16 =	sshll.u32 s14, $0x1  }
0x1e: {  	p0 =	slt.u32 s16, s5  }
.Ltmp4:
0x1f: {  	_ = 	snop;
	(pc) =	sbr.rel @!p0 .LBB2_6-.Ltmp4, $2  }
0x20: {  	_ =	sdelay $0x2  }
0x21: {  	s15 =	sor.u32 $0x1, s16  }
0x22: {  	s15 =	sor.u32 $0x1, s16  }
0x23: {  	p0 =	sge.u32 s15, s5  }
0x24: {  	_ =	swait.ge [sflag:s9], $0x3200;
	s17 =	sadd.s32 @!p0 s4, s15  }
0x25: {  	[sflag:s9] =	ssyncset.done $0x0;
	s17 =	smul.u32 @!p0 $0x640, s17  }
0x26: {  	s30 =	simm.s32 $0x40;
	[sflag:s9] =	ssyncadd.s32 $0xFFFFCE00  }
0x27: {  	s18 =	simm.s32 @!p0 $0x0;
	s19 =	simm.s32 @!p0 $0x3200;
	s17 =	sadd.s32 @!p0 s3, s17  }
0x28: {  	[tilespmem:s19], [sflag:$0x2] =	stream.linear.gather @!p0 [hbm4b:s17+s18], $0x3200, $0x38;
	[tilespmem:$0x6480] =	vst v63  }
0x29: {  	v4 =	vld [tilespmem:s30+$0x0]  }
0x2a: {  	v6 =	vld [tilespmem:s30+$0x10]  }
0x2b: {  	v3 =	vld [tilespmem:s30+$0xFFFFFFC0]  }
0x2c: {  	v7 =	vld [tilespmem:s30+$0xFFFFFFD0]  }
0x2d: {  	v8 =	vld [tilespmem:s30+$0xFFFFFFE0]  }
0x2e: {  	v9 =	vld [tilespmem:s30+$0xFFFFFFF0]  }
0x2f: {  	v10 =	vld [tilespmem:s30+$0x20]  }
0x30: {  	s31 =	simm.s32 $0xC0;
	v11 =	vld [tilespmem:s30+$0x30]  }
0x31: {  	v2 =	vld [tilespmem:s31+$0x0]  }
0x32: {  	v5 =	vld [tilespmem:s31+$0x10]  }
0x33: {  	v1 =	vld [tilespmem:s31+$0xFFFFFFC0];
	v7 =	vadd.f32 v7, v3;
	v8 =	vadd.f32 v9, v8  }
0x34: {  	v3 =	vld [tilespmem:s31+$0xFFFFFFD0];
	v12 =	vadd.f32 v6, v4  }
0x35: {  	v4 =	vld [tilespmem:s31+$0xFFFFFFE0];
	v10 =	vadd.f32 v11, v10;
	v8 =	vadd.f32 v8, v7  }
0x36: {  	v9 =	vimm.f32 $0.0e+00;
	v7 =	vld [tilespmem:s31+$0xFFFFFFF0]  }
0x37: {  	v6 =	vld [tilespmem:s31+$0x20];
	v10 =	vadd.f32 v10, v12;
	v9 =	vadd.f32 v8, v9  }
0x38: {  	s17 =	simm.s32 $0x2;
	s18 =	simm.s32 $0x140;
	v8 =	vld [tilespmem:s31+$0x30]  }
.LBB2_4:
0x39: {  	v11 =	vld [tilespmem:s18+$0x0];
	v9 =	vadd.f32 v10, v9  }
0x3a: {  	s17 =	sadd.s32 $0x2, s17;
	v12 =	vld [tilespmem:s18+$0x10]  }
0x3b: {  	v10 =	vadd.f32 v3, v1;
	p0 =	slt.u32 s17, $0xC6;
	v1 =	vld [tilespmem:s18+$0xFFFFFFC0];
	v7 =	vadd.f32 v7, v4  }
.Ltmp5:
0x3c: {  	v13 =	vadd.f32 v5, v2;
	v3 =	vld [tilespmem:s18+$0xFFFFFFD0];
	(pc) =	sbr.rel @p0 .LBB2_4-.Ltmp5, $4  }
0x3d: {  	v4 =	vld [tilespmem:s18+$0xFFFFFFE0];
	v10 =	vadd.f32 v7, v10;
	v8 =	vadd.f32 v8, v6  }
0x3e: {  	v7 =	vld [tilespmem:s18+$0xFFFFFFF0];
	v2 =	vmov v11  }
0x3f: {  	v6 =	vld [tilespmem:s18+$0x20];
	v9 =	vadd.f32 v10, v9;
	v10 =	vadd.f32 v8, v13;
	v5 =	vmov v12  }
0x40: {  	v8 =	vld [tilespmem:s18+$0x30];
	s18 =	sadd.s32 $0x80, s18  }
0x41: {  	_ =	sdelay $0x1  }
0x42: {  	v1 =	vadd.f32 v3, v1;
	v3 =	vadd.f32 v7, v4  }
0x43: {  	v63 =	vadd.f32 v10, v9;
	v2 =	vadd.f32 v5, v2  }
0x44: {  	v1 =	vadd.f32 v3, v1;
	v3 =	vadd.f32 v8, v6;
	_ =	sdelay $0x1  }
0x45: {  	v1 =	vadd.f32 v1, v63;
	v2 =	vadd.f32 v3, v2;
	_ =	sdelay $0x1  }
0x46: {  	v1 =	vadd.f32 v2, v1;
	_ =	sdelay $0x1  }
0x47: {  	(xrf2) =	vadd.scan.msk.f32 $0xffff, v1;
	_ =	sdelay $0x9  }
0x48: {  	v1, _, _ =	vpop (xrf2)  }
0x49: {  	(v2sf) =	vpush v1, $0xF;
	_ =	sdelay $0xa  }
0x4a: {  	v1 =	vmov s16  }
0x4b: {  	v1 =	vand.u32 $0xFFFFFFFE, v1  }
0x4c: {  	v1 =	vbroadcast v1, $0x0;
	_ =	sdelay $0x1  }
0x4d: {  	s17 =	spop (v2sf)  }
0x4e: {  	s17 =	scvt.f32.s32 s17;
	_ =	sdelay $0x1  }
0x4f: {  	v2 =	vmov s17  }
0x50: {  	[tilespmem:v1+s10+$0x0] =	vst.idx.msk $0x1, v2  }
.LBB2_6:
0x51: {  	p0 =	sge.u32 s15, s5  }
.Ltmp6:
0x52: {  	_ = 	snop;
	(pc) =	sbr.rel @p0 .LBB2_10-.Ltmp6, $1  }
0x53: {  	_ =	sdelay $0x3  }
0x54: {  	s16 =	sadd.s32 $0x2, s16  }
0x55: {  	p0 =	sge.u32 s16, s5  }
0x56: {  	s16 =	sadd.s32 @!p0 s4, s16  }
0x57: {  	_ =	swait.ge [sflag:s11], $0x3200;
	s16 =	smul.u32 @!p0 $0x640, s16  }
0x58: {  	s30 =	simm.s32 $0x3240;
	[sflag:s11] =	ssyncset.done $0x0  }
0x59: {  	[sflag:s11] =	ssyncadd.s32 $0xFFFFCE00;
	s17 =	simm.s32 @!p0 $0x0;
	s16 =	sadd.s32 @!p0 s3, s16  }
0x5a: {  	[tilespmem:s17], [sflag:$0x1] =	stream.linear.gather @!p0 [hbm4b:s16+s17], $0x3200, $0x38;
	[tilespmem:$0x6480] =	vst v63  }
0x5b: {  	v4 =	vld [tilespmem:s30+$0x0]  }
0x5c: {  	v6 =	vld [tilespmem:s30+$0x10]  }
0x5d: {  	v3 =	vld [tilespmem:s30+$0xFFFFFFC0]  }
0x5e: {  	v7 =	vld [tilespmem:s30+$0xFFFFFFD0]  }
0x5f: {  	v8 =	vld [tilespmem:s30+$0xFFFFFFE0]  }
0x60: {  	v9 =	vld [tilespmem:s30+$0xFFFFFFF0]  }
0x61: {  	v10 =	vld [tilespmem:s30+$0x20]  }
0x62: {  	s31 =	simm.s32 $0x32C0;
	v11 =	vld [tilespmem:s30+$0x30]  }
0x63: {  	v2 =	vld [tilespmem:s31+$0x0]  }
0x64: {  	v5 =	vld [tilespmem:s31+$0x10]  }
0x65: {  	v1 =	vld [tilespmem:s31+$0xFFFFFFC0];
	v7 =	vadd.f32 v7, v3;
	v8 =	vadd.f32 v9, v8  }
0x66: {  	v3 =	vld [tilespmem:s31+$0xFFFFFFD0];
	v12 =	vadd.f32 v6, v4  }
0x67: {  	v4 =	vld [tilespmem:s31+$0xFFFFFFE0];
	v10 =	vadd.f32 v11, v10;
	v8 =	vadd.f32 v8, v7  }
0x68: {  	v9 =	vimm.f32 $0.0e+00;
	v7 =	vld [tilespmem:s31+$0xFFFFFFF0]  }
0x69: {  	v6 =	vld [tilespmem:s31+$0x20];
	v10 =	vadd.f32 v10, v12;
	v9 =	vadd.f32 v8, v9  }
0x6a: {  	s16 =	simm.s32 $0x2;
	s17 =	simm.s32 $0x3340;
	v8 =	vld [tilespmem:s31+$0x30]  }
.LBB2_8:
0x6b: {  	v11 =	vld [tilespmem:s17+$0x0];
	v9 =	vadd.f32 v10, v9  }
0x6c: {  	s16 =	sadd.s32 $0x2, s16;
	v12 =	vld [tilespmem:s17+$0x10]  }
0x6d: {  	v10 =	vadd.f32 v3, v1;
	p0 =	slt.u32 s16, $0xC6;
	v1 =	vld [tilespmem:s17+$0xFFFFFFC0];
	v7 =	vadd.f32 v7, v4  }
.Ltmp7:
0x6e: {  	v13 =	vadd.f32 v5, v2;
	v3 =	vld [tilespmem:s17+$0xFFFFFFD0];
	(pc) =	sbr.rel @p0 .LBB2_8-.Ltmp7, $4  }
0x6f: {  	v4 =	vld [tilespmem:s17+$0xFFFFFFE0];
	v10 =	vadd.f32 v7, v10;
	v8 =	vadd.f32 v8, v6  }
0x70: {  	v7 =	vld [tilespmem:s17+$0xFFFFFFF0];
	v2 =	vmov v11  }
0x71: {  	v6 =	vld [tilespmem:s17+$0x20];
	v9 =	vadd.f32 v10, v9;
	v10 =	vadd.f32 v8, v13;
	v5 =	vmov v12  }
0x72: {  	v8 =	vld [tilespmem:s17+$0x30];
	s17 =	sadd.s32 $0x80, s17  }
0x73: {  	_ =	sdelay $0x1  }
0x74: {  	v1 =	vadd.f32 v3, v1;
	v3 =	vadd.f32 v7, v4  }
0x75: {  	v63 =	vadd.f32 v10, v9;
	v2 =	vadd.f32 v5, v2  }
0x76: {  	v1 =	vadd.f32 v3, v1;
	v3 =	vadd.f32 v8, v6;
	_ =	sdelay $0x1  }
0x77: {  	v1 =	vadd.f32 v1, v63;
	v2 =	vadd.f32 v3, v2;
	_ =	sdelay $0x1  }
0x78: {  	v1 =	vadd.f32 v2, v1;
	_ =	sdelay $0x1  }
0x79: {  	(xrf2) =	vadd.scan.msk.f32 $0xffff, v1;
	_ =	sdelay $0x9  }
0x7a: {  	v1, _, _ =	vpop (xrf2)  }
0x7b: {  	(v2sf) =	vpush v1, $0xF;
	_ =	sdelay $0xd  }
0x7c: {  	v1 =	vmov s15  }
.Ltmp8:
0x7d: {  	s31 =	spop (v2sf);
	(pc) =	sbr.rel .LBB2_10-.Ltmp8, $3  }
0x7e: {  	s15 =	scvt.f32.s32 s31;
	_ =	sdelay $0x1  }
0x7f: {  	v2 =	vmov s15  }
0x80: {  	[tilespmem:v1+s10+$0x0] =	vst.idx.msk $0x1, v2  }
.LBB2_12:
0x81: {  	_ =	sfence.sel $0x180000  }
0x82: {  	[bflag:$0x0] =	sbarrier.arrive $0xFFFF  }
0x83: {  	p0 =	sne.s32 s0, $0x0;
	_ =	strace $0x90000047  }
0x84: {  	s0 =	sadd.s32 @!p0 $0x100000, s1;
	[bflag:$0x2] =	sbarrier.arrive $0xFFFF  }
0x85: {  	[sflag:s0] =	ssyncadd.tile.s32 @!p0 $0x1;
	_ =	shalt  }
.Lfunc_end2:
_tile_overlayer_lowered:
.L_overlay_start_2:
0x86: {  	(tag) =	ssettag $0x2  }
0x87: {  	s0 =	rddreg [dreg:$0x0];
	s2 =	stileid.u32  }
0x88: {  	s1 =	rddreg [dreg:$0x1];
	p0 =	sne.s32 s2, $0x0  }
0x89: {  	s3 =	rddreg [dreg:$0x2];
	[bflag:$0x3] =	sbarrier.arrive $0xFFFF;
	s2 =	simm.s32 @!p0 $0x1C03  }
0x8a: {  	[timem:s3], [sflag:s2] =	dma.local @!p0 [hbm:s0], s1  }
0x8b: {  	s0 =	simm.s32 @!p0 $0x3  }
0x8c: {  	_ =	swait.ge @!p0 [sflag:s0], s1  }
0x8d: {  	s1 =	ssub.s32 @!p0 $0x0, s1;
	[sflag:s0] =	ssyncset.done @!p0 $0x0  }
0x8e: {  	[sflag:s0] =	ssyncadd.s32 @!p0 s1  }
0x8f: {  	[bflag:$0x3] =	sbarrier.arrive $0xFFFF  }
0x90: {  	_ =	shalt  }

// kernel: kernel.7.cloned.1.call-start
scs
__scs_entry_jumppad:
0x0: {  	(pc) =	sbr.rel $0x88, $3  }
0x1: {  	(tag) =	ssettag $0x0;
	lr =	simm.s32 $0x1  }
0x2: {  	[smem:$0x3F9E] =	sst lr;
	_ =	strace $0xD0000000  }
0x3: {  	_ = 	snop  }
0x4: {  	_ = 	snop  }
0x5: {  	_ = 	snop  }
0x6: {  	_ = 	snop  }
0x7: {  	_ = 	snop  }
__scs_overlays_trampoline_lowered:
0x8: {  	[smem:$0x3FAD] =	sst s0  }
0x9: {  	[smem:$0x3FAE] =	sst s1  }
0xa: {  	[smem:$0x3FAF] =	sst s2  }
0xb: {  	[smem:$0x3FB0] =	sst s3  }
0xc: {  	[smem:$0x3FB1] =	sst s4  }
0xd: {  	[smem:$0x3FB2] =	sst s5  }
0xe: {  	[smem:$0x3FB3] =	sst s6  }
0xf: {  	[smem:$0x3FB4] =	sst s7  }
0x10: {  	[smem:$0x3FB5] =	sst s8  }
0x11: {  	[smem:$0x3FB6] =	sst s9;
	s0 =	simm.s32 @!p0 $0x0  }
0x12: {  	s1 =	sld [smem:$0x3F9C];
	s0 =	simm.s32 @p0 $0x1  }
0x13: {  	[smem:$0x3FB7] =	sst s0;
	s0 =	simm.s32 @!p1 $0x0  }
0x14: {  	s2 =	sld [smem:$0x3F9B];
	s0 =	simm.s32 @p1 $0x1  }
0x15: {  	[smem:$0x3FB8] =	sst s0;
	s0 =	simm.s32 @!p2 $0x0  }
0x16: {  	s3 =	sld [smem:$0x3FDB];
	s0 =	simm.s32 @p2 $0x1  }
0x17: {  	s4 =	simm.s32 $0x1BF5;
	[smem:$0x3FBA] =	sst s0  }
0x18: {  	s0 =	sld [smem:$0x3F9D];
	_ =	swait.ge [sflag:s4], $0x0  }
0x19: {  	s7 =	sld [smem:$0x3F9E]  }
0x1a: {  	s8 =	sadd.s32 $0xFFFFE003, lr  }
0x1b: {  	s9 =	sadd.s32 $0xFFFFFEF7, lr;
	s5 =	simm.s32 $0xFFFFFFFF;
	p2 =	slt.u32 s8, $0xFFFFF086  }
0x1c: {  	p1 =	slt.u32 s9, $0xF7A;
	s5 =	simm.s32 @!p2 $0x0  }
0x1d: {  	s5 =	simm.s32 @p1 $0x1;
	p0 =	seq.s32 s7, s2  }
0x1e: {  	s7 =	smul.u32 @!p0 $0xF7A, s2;
	p2 =	seq.s32 @!p0 s5, $0x0  }
0x1f: {  	s9 =	smul.u32 $0xF7A, s1;
	s8 =	simm.s32 @!p0 $0x1BF5;
	p2 =	por !p2, p0  }
0x20: {  	[sflag:s8] =	ssyncset.s32 @!p0 $0xFFFFF086;
	s6 =	sadd.s32 @!p0 s3, s7;
	s7 =	simm.s32 @!p0 $0x108  }
0x21: {  	s3 =	sadd.s32 s3, s9;
	s6 =	sadd.s32 @!p0 $0x88, s6;
	s7 =	simm.s32 @p2 $0x1082  }
0x22: {  	[simem:s7], [sflag:s8] =	dma.local @!p0 [hbm:s6], $0xF7A  }
0x23: {  	s9 =	sor.u32 $0xD0000000, s2;
	s6 =	simm.s32 $0x108;
	_ =	swait.ge @!p0 [sflag:s8], $0x0  }
0x24: {  	s3 =	sadd.s32 $0x88, s3;
	s6 =	simm.s32 @!p1 $0x1082;
	[sflag:s4] =	ssyncset.s32 $0xFFFFF086  }
0x25: {  	[simem:s6], [sflag:s4] =	dma.local [hbm:s3], $0xF7A  }
0x26: {  	[smem:$0x3F9E] =	sst s1;
	(tag) =	ssettag s2;
	_ =	strace s9  }
0x27: {  	s1 =	sld [smem:$0x3FAE]  }
0x28: {  	s2 =	sld [smem:$0x3FAF]  }
0x29: {  	s4 =	sld [smem:$0x3FB1]  }
0x2a: {  	p0 =	seq.s32 s5, $0x0;
	s5 =	sld [smem:$0x3FB2]  }
0x2b: {  	s6 =	sld [smem:$0x3FB3]  }
0x2c: {  	s7 =	sld [smem:$0x3FB4]  }
0x2d: {  	s3 =	simm.s32 $0x108;
	s8 =	sld [smem:$0x3FB5]  }
0x2e: {  	s3 =	simm.s32 @!p0 $0x1082;
	s9 =	sld [smem:$0x3FB6]  }
0x2f: {  	lr =	sadd.s32 s0, s3;
	s0 =	sld [smem:$0x3FAD]  }
0x30: {  	s3 =	sld [smem:$0x3FB0]  }
0x31: {  	[smem:$0x3FB9] =	sst s10  }
0x32: {  	s10 =	sld [smem:$0x3FB7];
	_ =	sdelay $0x3  }
0x33: {  	p0 =	seq.s32 s10, $0x1;
	s10 =	sld [smem:$0x3FB9];
	_ =	sdelay $0x3  }
0x34: {  	[smem:$0x3FB9] =	sst s10  }
0x35: {  	s10 =	sld [smem:$0x3FB8];
	_ =	sdelay $0x3  }
0x36: {  	p1 =	seq.s32 s10, $0x1;
	s10 =	sld [smem:$0x3FB9];
	_ =	sdelay $0x3  }
0x37: {  	[smem:$0x3FB9] =	sst s10  }
0x38: {  	s10 =	sld [smem:$0x3FBA]  }
0x39: {  	_ = 	snop;
	(pc) =	sbr.ind lr, $3  }
0x3a: {  	_ = 	snop  }
0x3b: {  	_ = 	snop  }
0x3c: {  	p2 =	seq.s32 s10, $0x1;
	s10 =	sld [smem:$0x3FB9]  }
0x3d: {  	_ =	shalt  }
0x3e: {  	_ =	shalt  }
0x3f: {  	_ =	shalt  }
0x40: {  	_ =	shalt  }
0x41: {  	_ =	shalt  }
0x42: {  	_ =	shalt  }
0x43: {  	_ =	shalt  }
0x44: {  	_ =	shalt  }
0x45: {  	_ =	shalt  }
0x46: {  	_ =	shalt  }
0x47: {  	_ =	shalt  }
0x48: {  	_ =	shalt  }
0x49: {  	_ =	shalt  }
0x4a: {  	_ =	shalt  }
0x4b: {  	_ =	shalt  }
0x4c: {  	_ =	shalt  }
0x4d: {  	_ =	shalt  }
0x4e: {  	_ =	shalt  }
0x4f: {  	_ =	shalt  }
0x50: {  	_ =	shalt  }
0x51: {  	_ =	shalt  }
0x52: {  	_ =	shalt  }
0x53: {  	_ =	shalt  }
0x54: {  	_ =	shalt  }
0x55: {  	_ =	shalt  }
0x56: {  	_ =	shalt  }
0x57: {  	_ =	shalt  }
0x58: {  	_ =	shalt  }
0x59: {  	_ =	shalt  }
0x5a: {  	_ =	shalt  }
0x5b: {  	_ =	shalt  }
0x5c: {  	_ =	shalt  }
0x5d: {  	_ =	shalt  }
0x5e: {  	_ =	shalt  }
0x5f: {  	_ =	shalt  }
0x60: {  	_ =	shalt  }
0x61: {  	_ =	shalt  }
0x62: {  	_ =	shalt  }
0x63: {  	_ =	shalt  }
0x64: {  	_ =	shalt  }
0x65: {  	_ =	shalt  }
0x66: {  	_ =	shalt  }
0x67: {  	_ =	shalt  }
0x68: {  	_ =	shalt  }
0x69: {  	_ =	shalt  }
0x6a: {  	_ =	shalt  }
0x6b: {  	_ =	shalt  }
0x6c: {  	_ =	shalt  }
0x6d: {  	_ =	shalt  }
0x6e: {  	_ =	shalt  }
0x6f: {  	_ =	shalt  }
0x70: {  	_ =	shalt  }
0x71: {  	_ =	shalt  }
0x72: {  	_ =	shalt  }
0x73: {  	_ =	shalt  }
0x74: {  	_ =	shalt  }
0x75: {  	_ =	shalt  }
0x76: {  	_ =	shalt  }
0x77: {  	_ =	shalt  }
0x78: {  	_ =	shalt  }
0x79: {  	_ =	shalt  }
0x7a: {  	_ =	shalt  }
0x7b: {  	_ =	shalt  }
0x7c: {  	_ =	shalt  }
0x7d: {  	_ =	shalt  }
0x7e: {  	_ =	shalt  }
0x7f: {  	_ =	shalt  }
0x80: {  	_ =	shalt  }
0x81: {  	_ =	shalt  }
0x82: {  	_ =	shalt  }
0x83: {  	_ =	shalt  }
0x84: {  	_ =	shalt  }
0x85: {  	_ =	shalt  }
0x86: {  	_ =	shalt  }
0x87: {  	_ =	shalt  }
.Lfunc_end0:
.L_simem_size_0:
called_computation.1_lowered:
.L_overlay_start_0:
0x88: {  	s2 =	sld [smem:$0x3FD9]  }
0x89: {  	s3 =	sld [smem:$0x3FFE];
	_ =	sdelay $0x1  }
0x8a: {  	s1 =	srdreg.scid  }
0x8b: {  	s0 =	sand.u32 $0x1, s1  }
0x8c: {  	s17 =	sshll.u32 s0, $0xA;
	s2 =	sadd.s32 s3, s2  }
0x8d: {  	s2 =	sadd.s32 s2, s17  }
0x8e: {  	[smem:$0x3FC5] =	sst s2  }
0x8f: {  	_ = 	snop  }
0x90: {  	s2 =	sld [smem:$0x3FC9]  }
0x91: {  	s18 =	sld [smem:$0x3FC7]  }
0x92: {  	s4 =	sld [smem:$0x3FD0];
	(tm) =	ssettm $0x1  }
0x93: {  	s5 =	sld [smem:$0x3FFB];
	_ =	sdelay $0x3  }
0x94: {  	_ =	strace s5  }
0x95: {  	s5 =	sld [smem:$0x3FFC];
	_ =	sdelay $0x3  }
0x96: {  	_ =	strace s5  }
0x97: {  	s5 =	sld [smem:$0x3FFD];
	_ =	sdelay $0x3  }
0x98: {  	_ =	strace s5  }
0x99: {  	_ =	strace $0x8FFFFFFF  }
0x9a: {  	s19 =	sld [smem:$0x3FDB];
	_ =	sdelay $0x1  }
0x9b: {  	s6 =	simm.s32 $_scs_section_size  }
0x9c: {  	s7 =	simm.s32 $_size__tile_overlayer_lowered;
	s8 =	simm.s32 $_tile_overlayer_lowered  }
0x9d: {  	s22 =	simm.s32 $0x1BFF;
	s21 =	sshll.u32 s8, $0x1;
	s5 =	sadd.s32 s6, s19  }
0x9e: {  	s9 =	simm.s32 $0x0;
	s20 =	sshll.u32 s7, $0x1;
	s7 =	sadd.s32 s21, s5  }
0x9f: {  	[timem:s9], [sflag:s22] =	dma.local [hbm:s7], s20  }
0xa0: {  	_ =	swait.ge [sflag:s22], s20  }
0xa1: {  	s6 =	ssub.s32 $0x0, s20;
	[sflag:s22] =	ssyncset.done $0x0  }
0xa2: {  	[sflag:s22] =	ssyncadd.s32 s6;
	_ =	sdelay $0x1  }
0xa3: {  	s23 =	simm.s32 $0x1B8B  }
0xa4: {  	_ =	swait.ge [sflag:s23], $0x1  }
0xa5: {  	[sflag:s23] =	ssyncset.done $0x0  }
0xa6: {  	s25 =	simm.s32 $0x1B8E;
	s24 =	sld [smem:$0x3FFE];
	[sflag:s23] =	ssyncadd.s32 $0xFFFFFFFF  }
0xa7: {  	s26 =	simm.s32 $execute0_lowered;
	[smem:$0x3FD2] =	sst s25  }
0xa8: {  	s7 =	sshll.u32 s26, $0x1;
	_ =	strace $0x80000049;
	[dreg:$0x1] =	wrdreg $0xFFFFFFFF  }
0xa9: {  	s28 =	simm.s32 $_size_execute0_lowered;
	s5 =	sadd.s32 s5, s7;
	[dreg:$0x0] =	wrdreg $0x0  }
0xaa: {  	s7 =	sshll.u32 s28, $0x1;
	[dreg:$0x2] =	wrdreg s5  }
0xab: {  	[dreg:$0x3] =	wrdreg s7  }
0xac: {  	[dreg:$0x4] =	wrdreg $0xC0  }
0xad: {  	_ =	task [dreg:s9], $0x5FFFF  }
0xae: {  	[dreg:$0x1] =	wrdreg $0xFFFFFFFF  }
0xaf: {  	[dreg:$0x0] =	wrdreg $0x60  }
0xb0: {  	[dreg:$0x2] =	wrdreg s24  }
0xb1: {  	[dreg:$0x3] =	wrdreg s2  }
0xb2: {  	[dreg:$0x4] =	wrdreg s18  }
0xb3: {  	[dreg:$0x5] =	wrdreg s4  }
0xb4: {  	[dreg:$0x6] =	wrdreg $0x9  }
0xb5: {  	_ =	task.clear_ibuf [dreg:s9], $0x7FFFF;
	_ =	strace $0x90000049  }
0xb6: {  	s29 =	simm.s32 $0x9;
	_ =	strace $0x8000004B  }
0xb7: {  	_ =	swait.ge [sflag:s29], $0x1  }
0xb8: {  	[sflag:s29] =	ssyncadd.s32 $0xFFFFFFFF  }
0xb9: {  	_ =	strace $0x9000004B  }
0xba: {  	_ =	sfence  }
0xbb: {  	s30 =	sld [smem:$0x0];
	_ =	sdelay $0x2  }
0xbc: {  	s31 =	sshll.u32 s1, $0xD;
	s1 =	sshrl.u32 s1, $0x2  }
0xbd: {  	s3 =	sand.u32 $0x4000, s31;
	s1 =	sadd.s32 s1, s30  }
0xbe: {  	s0 =	sor.u32 s3, s0;
	s1 =	sshll.u32 s1, $0x11  }
0xbf: {  	s0 =	sor.u32 s1, s0  }
0xc0: {  	s0 =	sadd.s32 $0x8F2B, s0  }
0xc1: {  	[sflag:s0] =	ssyncadd.remote.s32 $0x1  }
0xc2: {  	_ =	sfence.sel $0xFFFF  }
0xc3: {  	[dreg:$0x0] =	wrdreg $0xFFFFFFFF;
	(pc) =	sbr.abs _section_cstart, $3  }
0xc4: {  	[dreg:$0x1] =	wrdreg $0xFFFFFFFF  }
0xc5: {  	_ =	task.clear_ibuf [dreg:s9], $0x2FFFF;
	_ =	strace $0x9FFFFFFF  }
0xc6: {  	(tm) =	ssettm $0x7FFFFFFF  }
0xc7: {  	_ =	shalt  }
tec
execute0_lowered:
.L_overlay_start_1:
0x0: {  	(tag) =	ssettag $0x1  }
0x1: {  	s0 =	rddreg [dreg:$0x0]  }
0x2: {  	s1 =	rddreg [dreg:$0x1]  }
0x3: {  	s3 =	rddreg [dreg:$0x2];
	s2 =	srdreg.scid  }
0x4: {  	s13 =	stileid.u32;
	s4 =	rddreg [dreg:$0x3];
	s5 =	simm.s32 $0x0  }
0x5: {  	s17 =	simm.s32 $0xA;
	s19 =	simm.s32 $0x9600;
	s28 =	simm.s32 $0x3  }
0x6: {  	s29 =	simm.s32 $0x6;
	s30 =	simm.s32 $0xFA00;
	s31 =	simm.s32 $0x7  }
0x7: {  	s18 =	simm.s32 $0x0;
	s2 =	sand.u32 $0x1, s2;
	s6 =	sshll.u32 s13, $0x1  }
0x8: {  	[smem:$0x7FF] =	sst s5;
	p0 =	slt.u32 s13, $0x2;
	s23 =	smul.u32 $0xA, s13  }
0x9: {  	s8 =	sor.u32 s2, s6;
	_ =	strace $0x8000004A;
	s6 =	sadd.s32 $0x800, s0  }
0xa: {  	s10 =	ssub.s32 $0x2, s2;
	s0 =	sadd.s32 $0x3D1200, s0;
	s2 =	smul.u32 $0x5, s2  }
0xb: {  	s7 =	smul.u32 $0x4E, s8;
	s9 =	smin.u32 s8, $0x4;
	s22 =	sshrl.u32 s10, $0x1  }
0xc: {  	[dreg:$0x5] =	wrdreg s0;
	s25 =	smul.u32 $0x140, s8;
	s0 =	ssub.s32 s10, s22  }
0xd: {  	s2 =	sadd.s32 s2, s23;
	s22 =	simm.s32 $0xC800;
	s23 =	simm.s32 $0x1  }
0xe: {  	s7 =	sadd.s32 s9, s7;
	s9 =	simm.s32 $0x4F;
	s2 =	smax.u32 s2, $0x1  }
0xf: {  	s0 =	smax.u32 s0, $0x1;
	s16 =	sshrl.u32 s25, $0x2;
	s11 =	smul.u32 $0x3200, s7  }
0x10: {  	s25 =	simm.s32 $0x2;
	s12 =	smul.u32 $0x640, s7;
	[dreg:$0xa] =	wrdreg s2  }
0x11: {  	s9 =	simm.s32 @!p0 $0x4E;
	[dreg:$0xb] =	wrdreg s0;
	p0 =	seq.s32 s8, $0x0  }
.Ltmp0:
0x12: {  	s24 =	sadd.s32 s6, s12;
	s11 =	sshrl.u32 s11, $0x3;
	(pc) =	sbr.rel .LBB2_1-.Ltmp0, $4  }
0x13: {  	s12 =	sadd.s32 s1, s12;
	[dreg:$0x6] =	wrdreg s24;
	s11 =	sadd.s32 $0x640, s11  }
0x14: {  	s2 =	simm.s32 $0x8;
	[dreg:$0x7] =	wrdreg s12;
	s26 =	sadd.s32 s6, s11  }
0x15: {  	s0 =	simm.s32 $0x9;
	s11 =	sadd.s32 s1, s11;
	[dreg:$0x8] =	wrdreg s26  }
0x16: {  	v0 =	vlaneseq.u32;
	s24 =	simm.s32 $0x4;
	[dreg:$0x9] =	wrdreg s11;
	s26 =	simm.s32 $0x5  }
.LBB2_19:
0x17: {  	_ =	swait.ge [sflag:s31], $0x3200  }
0x18: {  	[sflag:s31] =	ssyncset.done $0x0  }
0x19: {  	[sflag:s31] =	ssyncadd.s32 $0xFFFFCE00  }
0x1a: {  	_ =	swait.ge [sflag:s2], $0x3200  }
0x1b: {  	[sflag:s2] =	ssyncset.done $0x0  }
0x1c: {  	[sflag:s2] =	ssyncadd.s32 $0xFFFFCE00  }
0x1d: {  	_ =	swait.ge [sflag:s0], $0x3200  }
0x1e: {  	s18 =	sadd.s32 $0x1, s18;
	s8 =	rddreg [dreg:$0xb]  }
0x1f: {  	p1 =	sne.s32 s18, s8  }
.Ltmp1:
0x20: {  	_ = 	snop;
	(pc) =	sbr.rel @!p1 .LBB2_20-.Ltmp1, $3  }
0x21: {  	_ =	sdelay $0x1  }
0x22: {  	[sflag:s0] =	ssyncset.done $0x0  }
0x23: {  	[sflag:s0] =	ssyncadd.s32 $0xFFFFCE00  }
.LBB2_1:
.Ltmp2:
0x24: {  	s8 =	simm.s32 $0x1C380;
	s10 =	rddreg [dreg:$0x5];
	(pc) =	sbr.rel @p0 .LBB2_5-.Ltmp2, $4  }
0x25: {  	[tilespmem:s8], [sflag:$0xA] =	stream.linear.gather [hbm4b:s10+s5], $0xA00, $0x38;
	[tilespmem:$0x1CE00] =	vst v63  }
0x26: {  	_ =	swait.ge [sflag:s17], $0xA00  }
0x27: {  	[sflag:s17] =	ssyncset.done $0x0  }
0x28: {  	v1 =	vimm.s32 $0x0;
	[sflag:s17] =	ssyncadd.s32 $0xFFFFF600  }
0x29: {  	s10 =	rddreg [dreg:$0xa]  }
0x2a: {  	p1 =	sne.s32 s10, $0x1  }
.Ltmp3:
0x2b: {  	_ = 	snop;
	(pc) =	sbr.rel @!p1 .LBB2_4-.Ltmp3, $2  }
0x2c: {  	_ =	sdelay $0x2  }
0x2d: {  	v2 =	vld [tilespmem:s8+$0x0];
	s10 =	sadd.s32 $0xFFFFFFFF, s10  }
.LBB2_3:
0x2e: {  	p1 =	sne.s32 s10, $0x1  }
.Ltmp4:
0x2f: {  	_ = 	snop;
	(pc) =	sbr.rel @p1 .LBB2_3-.Ltmp4, $3  }
0x30: {  	_ =	sdelay $0x1  }
0x31: {  	s10 =	sadd.s32 $0xFFFFFFFF, s10;
	s8 =	sadd.s32 $0x10, s8;
	v1 =	vadd.s32 v1, v2  }
0x32: {  	v2 =	vld [tilespmem:s8+$0x0]  }
.LBB2_4:
0x33: {  	_ =	sdelay $0x3  }
0x34: {  	v1 =	vadd.s32 v1, v2  }
.LBB2_5:
0x35: {  	v2 =	vld [tilespmem:s16+$0x1C380];
	_ =	sdelay $0x1  }
0x36: {  	(xrf0) =	vadd.scan.msk.s32 $0xffff, v1;
	_ =	sdelay $0x2  }
0x37: {  	(xrf0) =	vadd.scan.msk.s32 $0xffff, v2;
	_ =	sdelay $0x2  }
0x38: {  	v1, _, _ =	vpop (xrf0)  }
0x39: {  	v3 =	vbroadcast v1, $0xF;
	_ =	sdelay $0x1  }
0x3a: {  	(v2sf) =	vpush v1, $0xF;
	v2 =	vsub.s32 v3, v2;
	v1, _, _ =	vpop (xrf0)  }
0x3b: {  	v2 =	vadd.s32 v1, v2;
	(v2sf) =	vpush v1, $0xF  }
0x3c: {  	[tilespmem:$0x1CD80] =	vst v2  }
0x3d: {  	v1 =	vld [tilespmem:s16+$0x1C390];
	_ =	sdelay $0x4  }
0x3e: {  	(xrf0) =	vadd.scan.msk.s32 $0xffff, v1;
	_ =	sdelay $0x5  }
0x3f: {  	v3, _, _ =	vpop (xrf0)  }
0x40: {  	s8 =	spop (v2sf);
	(v2sf) =	vpush v3, $0xF  }
0x41: {  	s10 =	spop (v2sf)  }
0x42: {  	s8 =	sadd.s32 s8, s10  }
0x43: {  	v1 =	vsub.s32 s8, v1  }
0x44: {  	v1 =	vadd.s32 v3, v1  }
0x45: {  	[tilespmem:$0x1CD90] =	vst v1  }
0x46: {  	v1 =	vld [tilespmem:s16+$0x1C3A0];
	_ =	sdelay $0x4  }
0x47: {  	(xrf0) =	vadd.scan.msk.s32 $0xffff, v1;
	_ =	sdelay $0x3  }
0x48: {  	s11 =	spop (v2sf)  }
0x49: {  	s8 =	sadd.s32 s8, s11  }
0x4a: {  	v3, _, _ =	vpop (xrf0);
	v1 =	vsub.s32 s8, v1  }
0x4b: {  	v1 =	vadd.s32 v3, v1;
	(v2sf) =	vpush v3, $0xF  }
0x4c: {  	[tilespmem:$0x1CDA0] =	vst v1  }
0x4d: {  	v1 =	vld [tilespmem:s16+$0x1C3B0];
	_ =	sdelay $0x4  }
0x4e: {  	(xrf0) =	vadd.scan.msk.s32 $0xffff, v1;
	_ =	sdelay $0x5  }
0x4f: {  	v3, _, _ =	vpop (xrf0)  }
0x50: {  	(v2sf) =	vpush v3, $0xF  }
0x51: {  	s12 =	spop (v2sf);
	(v2sf) =	vpush v2, $0x0;
	v2 =	vld [tilespmem:$0x1CD81]  }
0x52: {  	s8 =	sadd.s32 s8, s12  }
0x53: {  	v1 =	vsub.s32 s8, v1  }
0x54: {  	v1 =	vadd.s32 v3, v1  }
0x55: {  	[tilespmem:$0x1CDB0] =	vst v1  }
0x56: {  	v1 =	vld [tilespmem:s16+$0x1C3C0];
	(v2sf) =	vpush v2, $0x0;
	_ =	sdelay $0x4  }
0x57: {  	(xrf0) =	vadd.scan.msk.s32 $0xffff, v1;
	_ =	sdelay $0x3  }
0x58: {  	s13 =	spop (v2sf)  }
0x59: {  	s11 =	spop (v2sf);
	s8 =	sadd.s32 s8, s13  }
0x5a: {  	v2, _, _ =	vpop (xrf0);
	v1 =	vsub.s32 s8, v1;
	s8 =	sand.u32 $0xFFFFFFF8, s11  }
0x5b: {  	v1 =	vadd.s32 v2, v1;
	p1 =	slt.s32 s8, $0x1E815F8  }
0x5c: {  	s20 =	simm.s32 $0x0;
	s14 =	rddreg [dreg:$0x6];
	[tilespmem:$0x1CDC0] =	vst v1;
	s8 =	simm.s32 @!p1 $0x1E815F8  }
0x5d: {  	[tilespmem:s20], [sflag:$0x1] =	stream.linear.gather [hbm4b:s14+s20], $0x3200, $0x38;
	[tilespmem:$0x1CE00] =	vst v63  }
0x5e: {  	s8 =	sshrl.u32 s8, $0x3;
	s15 =	spop (v2sf)  }
0x5f: {  	s21 =	simm.s32 $0x12C00;
	s8 =	sadd.s32 s3, s8;
	s10 =	sand.u32 $0xFFFFFFF8, s15  }
0x60: {  	[tilespmem:s21], [sflag:$0x1] =	stream.linear.gather [hbm4b:s8+s20], $0x3208, $0x38;
	[tilespmem:$0x1CE00] =	vst v63  }
0x61: {  	s11 =	rddreg [dreg:$0x7];
	p1 =	slt.s32 s10, $0x1E815F8  }
0x62: {  	[tilespmem:s19], [sflag:$0x4] =	stream.linear.gather [hbm4b:s11+s20], $0x3200, $0x38;
	[tilespmem:$0x1CE00] =	vst v63  }
0x63: {  	s12 =	rddreg [dreg:$0x8];
	s13 =	simm.s32 $0x3200;
	s10 =	simm.s32 @!p1 $0x1E815F8  }
0x64: {  	[tilespmem:s13], [sflag:$0x2] =	stream.linear.gather [hbm4b:s12+s20], $0x3200, $0x38;
	[tilespmem:$0x1CE00] =	vst v63  }
.Ltmp5:
0x65: {  	s14 =	sshrl.u32 s10, $0x3;
	(pc) =	sbr.rel .LBB2_6-.Ltmp5, $4  }
0x66: {  	s15 =	simm.s32 $0x15E80;
	s8 =	sadd.s32 s3, s14  }
0x67: {  	[tilespmem:s15], [sflag:$0x2] =	stream.linear.gather [hbm4b:s8+s20], $0x3208, $0x38;
	[tilespmem:$0x1CE00] =	vst v63  }
0x68: {  	s21 =	rddreg [dreg:$0x9]  }
0x69: {  	[tilespmem:s22], [sflag:$0x5] =	stream.linear.gather [hbm4b:s21+s20], $0x3200, $0x38;
	[tilespmem:$0x1CE00] =	vst v63  }
.LBB2_18:
0x6a: {  	s20 =	sadd.s32 $0x1, s20  }
0x6b: {  	p1 =	sne.s32 s20, $0x1B  }
.Ltmp6:
0x6c: {  	_ = 	snop;
	(pc) =	sbr.rel @!p1 .LBB2_19-.Ltmp6, $1  }
0x6d: {  	_ =	sdelay $0x3  }
.LBB2_6:
0x6e: {  	s21 =	smul.u32 $0x3, s20;
	_ =	sdelay $0x1  }
0x6f: {  	p1 =	sge.u32 s21, s9  }
.Ltmp7:
0x70: {  	_ = 	snop;
	(pc) =	sbr.rel @p1 .LBB2_10-.Ltmp7, $1  }
0x71: {  	_ =	sdelay $0x3  }
0x72: {  	_ =	swait.ge [sflag:s23], $0x3200  }
0x73: {  	[sflag:s23] =	ssyncset.done $0x0  }
0x74: {  	[sflag:s23] =	ssyncadd.s32 $0xFFFFCE00  }
0x75: {  	_ =	swait.ge [sflag:s23], $0x3208  }
0x76: {  	s8 =	sadd.s32 $0x2, s21;
	[sflag:s23] =	ssyncset.done $0x0  }
0x77: {  	p1 =	sge.u32 s8, s9;
	[sflag:s23] =	ssyncadd.s32 $0xFFFFCDF8  }
0x78: {  	p2 =	seq.s32 @!p1 s20, $0x0;
	_ =	swait.ge [sflag:s24], $0x3200  }
0x79: {  	p2 =	por p2, p1;
	[sflag:s24] =	ssyncset.done $0x0  }
0x7a: {  	s10 =	simm.s32 @!p2 $0x9;
	[sflag:s24] =	ssyncadd.s32 $0xFFFFCE00  }
0x7b: {  	_ =	swait.ge @!p2 [sflag:s10], $0x3200  }
0x7c: {  	[sflag:s10] =	ssyncset.done @!p2 $0x0  }
0x7d: {  	[sflag:s10] =	ssyncadd.s32 @!p2 $0xFFFFCE00  }
0x7e: {  	v1 =	vld @!p1 [tilespmem:s8+$0x1CD80];
	_ =	sdelay $0x4  }
0x7f: {  	(v2sf) =	vpush @!p1 v1, $0x0;
	_ =	sdelay $0x9  }
0x80: {  	s8 =	sadd.s32 @!p1 s7, s8  }
0x81: {  	s8 =	smul.u32 @!p1 $0x640, s8;
	_ =	sdelay $0x1  }
0x82: {  	s12 =	simm.s32 @!p1 $0x0;
	s13 =	simm.s32 @!p1 $0x6400;
	s11 =	sadd.s32 @!p1 s6, s8  }
0x83: {  	[tilespmem:s13], [sflag:$0x3] =	stream.linear.gather @!p1 [hbm4b:s11+s12], $0x3200, $0x38;
	[tilespmem:$0x1CE00] =	vst v63  }
0x84: {  	s10 =	spop @!p1 (v2sf)  }
0x85: {  	s10 =	sand.u32 @!p1 $0xFFFFFFF8, s10  }
0x86: {  	p2 =	slt.s32 @!p1 s10, $0x1E815F8  }
0x87: {  	p2 =	por !p2, p1  }
0x88: {  	s10 =	simm.s32 @p2 $0x1E815F8  }
0x89: {  	s10 =	sshrl.u32 @!p1 s10, $0x3  }
0x8a: {  	s11 =	simm.s32 @!p1 $0x19100;
	s10 =	sadd.s32 @!p1 s3, s10  }
0x8b: {  	[tilespmem:s11], [sflag:$0x3] =	stream.linear.gather @!p1 [hbm4b:s10+s12], $0x3208, $0x38;
	[tilespmem:$0x1CE00] =	vst v63  }
0x8c: {  	s8 =	sadd.s32 @!p1 s1, s8;
	s10 =	simm.s32 @!p1 $0xFA00  }
0x8d: {  	[tilespmem:s10], [sflag:$0x6] =	stream.linear.gather @!p1 [hbm4b:s8+s12], $0x3200, $0x38;
	[tilespmem:$0x1CE00] =	vst v63  }
0x8e: {  	v1 =	vld [tilespmem:s21+$0x1CD80];
	_ =	sdelay $0x4  }
0x8f: {  	(v2sf) =	vpush v1, $0x0;
	_ =	sdelay $0xe  }
0x90: {  	s13 =	simm.s32 $0x20;
	s12 =	spop (v2sf)  }
0x91: {  	v2 =	vld [tilespmem:s13+$0x0];
	s10 =	sand.u32 $0xFFFFFFF8, s12  }
0x92: {  	v3 =	vld [tilespmem:s13+$0xFFFFFFE0];
	p1 =	slt.s32 s10, $0x1E815F8  }
0x93: {  	v5 =	vld [tilespmem:s13+$0xFFFFFFF0];
	s10 =	simm.s32 @!p1 $0x1E815F8  }
0x94: {  	s8 =	ssub.s32 s12, s10  }
0x95: {  	v1 =	vld [tilespmem:s13+$0x10];
	v4 =	vmov s8  }
0x96: {  	(v2sf) =	vpush v4, $0x0  }
0x97: {  	vm1 =	vlt.f32 v3, $0.0e+00;
	vm2 =	vgt.f32 v3, $0.0e+00;
	vm3 =	vlt.f32 v2, $0.0e+00  }
0x98: {  	vm4 =	vgt.f32 v5, $0.0e+00;
	vm1 =	vmor vm2, vm1;
	vm2 =	vlt.f32 v5, $0.0e+00  }
0x99: {  	v3 =	vmpcnt.ones.xlane vm1;
	vm2 =	vmor vm4, vm2;
	vm4 =	vgt.f32 v2, $0.0e+00  }
0x9a: {  	s14 =	simm.s32 $0x60;
	v2 =	vmpcnt.ones.xlane vm2;
	vm4 =	vmor vm4, vm3;
	vm0 =	vlt.f32 v1, $0.0e+00  }
0x9b: {  	v7 =	vld [tilespmem:s14+$0xFFFFFFE0];
	vm3 =	vgt.f32 v1, $0.0e+00;
	v1 =	vadd.s32 v4, v3;
	v3 =	vmpcnt.ones.xlane vm4  }
0x9c: {  	v2 =	vadd.s32 v1, v2;
	(v2sf) =	vpush v1, $0x0  }
0x9d: {  	v1 =	vadd.s32 v2, v3;
	(v2sf) =	vpush v2, $0x0;
	v2 =	vld [tilespmem:s14+$0xFFFFFFF0]  }
0x9e: {  	vm5 =	vmor vm3, vm0;
	vm0 =	vmmov vm1  }
0x9f: {  	v5 =	vld [tilespmem:s14+$0x10];
	vm3 =	vmmov vm2;
	vm2 =	vmmov vm4;
	v6 =	vmpcnt.ones.xlane vm5  }
0xa0: {  	vm1 =	vmmov vm5;
	vm5 =	vgt.f32 v7, $0.0e+00;
	v4 =	vld [tilespmem:s14+$0x0];
	vm4 =	vlt.f32 v7, $0.0e+00  }
0xa1: {  	vm4 =	vmor vm5, vm4;
	v6 =	vadd.s32 v1, v6;
	(v2sf) =	vpush v1, $0x0  }
0xa2: {  	(v2sf) =	vpush v6, $0x0;
	vm5 =	vlt.f32 v2, $0.0e+00;
	vm8 =	vgt.f32 v2, $0.0e+00  }
0xa3: {  	v7 =	vmpcnt.ones.xlane vm4;
	vm5 =	vmor vm8, vm5  }
0xa4: {  	vm7 =	vlt.f32 v5, $0.0e+00;
	s10 =	simm.s32 $0x0;
	v8 =	vmpcnt.ones.xlane vm5  }
0xa5: {  	v1 =	vor.u32 s10, v0;
	v6 =	vadd.s32 v6, v7;
	vm6 =	vlt.f32 v4, $0.0e+00;
	s15 =	spop (v2sf)  }
0xa6: {  	vm8 =	vgt.f32 v4, $0.0e+00;
	v8 =	vadd.s32 v6, v8;
	(v2sf) =	vpush v6, $0x0;
	v2 =	vld.msk [tilespmem:s15+$0x12C00], vm0  }
0xa7: {  	s12 =	simm.s32 $0xA0;
	vm6 =	vmor vm8, vm6;
	vm8 =	vgt.f32 v5, $0.0e+00;
	(v2sf) =	vpush v8, $0x0  }
0xa8: {  	v3 =	vld [tilespmem:s12+$0x10];
	v7 =	vmpcnt.ones.xlane vm6;
	vm7 =	vmor vm8, vm7  }
0xa9: {  	v4 =	vld [tilespmem:s12+$0x0];
	v5 =	vmpcnt.ones.xlane vm7  }
0xaa: {  	s11 =	simm.s32 $0x0;
	s13 =	simm.s32 $0xC;
	vm3 =	vmmov vm3;
	s8 =	sadd.s32 s7, s21;
	v7 =	vadd.s32 v8, v7;
	v6 =	vld [tilespmem:s12+$0xFFFFFFE0]  }
.LBB2_8:
0xab: {  	v5 =	vadd.s32 v7, v5;
	(v2sf) =	vpush v7, $0x0;
	[tilespmem:v1+s19+$0x0] =	vst.idx.msk vm0, v2;
	vm0 =	vmmov vm4  }
0xac: {  	s13 =	sadd.s32 $0x4, s13;
	v8 =	vld [tilespmem:s12+$0xFFFFFFF0];
	vm8 =	vmmov vm5;
	vm9 =	vmmov vm2;
	vm2 =	vmmov vm6  }
0xad: {  	s15 =	sadd.s32 $0x10, s10;
	s11 =	sadd.s32 $0x40, s11;
	vm10 =	vmmov vm1;
	vm1 =	vmmov vm7;
	p1 =	slt.u32 s13, $0x31C;
	(v2sf) =	vpush v5, $0x0  }
0xae: {  	v1 =	vor.u32 s11, v0;
	v7 =	vor.u32 s15, v0;
	s15 =	sadd.s32 $0x20, s10;
	s10 =	sadd.s32 $0x30, s10;
	s14 =	spop (v2sf)  }
0xaf: {  	vm7 =	vlt.f32 v3, $0.0e+00;
	v10 =	vor.u32 s15, v0;
	v11 =	vor.u32 s10, v0;
	s10 =	smov.u32 s11;
	v9 =	vld.msk [tilespmem:s14+$0x12C00], vm3;
	s14 =	spop (v2sf)  }
0xb0: {  	vm6 =	vlt.f32 v4, $0.0e+00;
	vm4 =	vlt.f32 v6, $0.0e+00;
	vm5 =	vgt.f32 v6, $0.0e+00;
	v6 =	vld.msk [tilespmem:s14+$0x12C00], vm9;
	s14 =	spop (v2sf)  }
0xb1: {  	vm4 =	vmor vm5, vm4;
	vm5 =	vlt.f32 v8, $0.0e+00;
	vm11 =	vgt.f32 v8, $0.0e+00;
	s15 =	spop (v2sf);
	v8 =	vld.msk [tilespmem:s14+$0x12C00], vm10  }
.Ltmp8:
0xb2: {  	v12 =	vmpcnt.ones.xlane vm4;
	vm5 =	vmor vm11, vm5;
	vm11 =	vgt.f32 v4, $0.0e+00;
	v2 =	vld.msk [tilespmem:s15+$0x12C00], vm0;
	(pc) =	sbr.rel @p1 .LBB2_8-.Ltmp8, $4  }
0xb3: {  	s12 =	sadd.s32 $0x40, s12;
	v13 =	vmpcnt.ones.xlane vm5;
	vm6 =	vmor vm11, vm6;
	vm11 =	vgt.f32 v3, $0.0e+00  }
0xb4: {  	v3 =	vld [tilespmem:s12+$0x10];
	v12 =	vadd.s32 v5, v12;
	v14 =	vmpcnt.ones.xlane vm6;
	vm7 =	vmor vm11, vm7;
	[tilespmem:v7+s19+$0x0] =	vst.idx.msk vm3, v9  }
0xb5: {  	v4 =	vld [tilespmem:s12+$0x0];
	v9 =	vadd.s32 v12, v13;
	v5 =	vmpcnt.ones.xlane vm7;
	(v2sf) =	vpush v12, $0x0;
	[tilespmem:v10+s19+$0x0] =	vst.idx.msk vm9, v6  }
0xb6: {  	vm3 =	vmmov vm8;
	v6 =	vld [tilespmem:s12+$0xFFFFFFE0];
	v7 =	vadd.s32 v9, v14;
	(v2sf) =	vpush v9, $0x0;
	[tilespmem:v11+s19+$0x0] =	vst.idx.msk vm10, v8  }
0xb7: {  	v8 =	vld [tilespmem:s12+$0xFFFFFFF0]  }
0xb8: {  	s12 =	sadd.s32 $0x40, s12  }
0xb9: {  	v9 =	vld [tilespmem:s12+$0xFFFFFFE0]  }
0xba: {  	v34 =	vimm.s32 $0x0;
	vm8 =	vlt.f32 v3, $0.0e+00;
	vm11 =	vlt.f32 v4, $0.0e+00  }
0xbb: {  	vm15 =	vgt.f32 v4, $0.0e+00;
	vm9 =	vlt.f32 v6, $0.0e+00;
	vm10 =	vgt.f32 v6, $0.0e+00  }
0xbc: {  	vm12 =	vlt.f32 v8, $0.0e+00;
	vm13 =	vgt.f32 v8, $0.0e+00;
	vm9 =	vmor vm10, vm9  }
0xbd: {  	vm11 =	vmor vm15, vm11;
	v4 =	vsel vm9, $0xFFFFFFFF, v34;
	vm13 =	vmor vm13, vm12  }
0xbe: {  	vm9 =	vgt.f32 v3, $0.0e+00;
	vm10 =	vlt.f32 v9, $0.0e+00;
	vm15 =	vgt.f32 v9, $0.0e+00  }
0xbf: {  	v10 =	vld [tilespmem:s12+$0x0];
	v3 =	vimm.s32 $0x0;
	vm12 =	vmor vm9, vm8;
	vm9 =	vmor vm15, vm10  }
0xc0: {  	v33 =	vld [tilespmem:s12+$0xFFFFFFF0];
	[tilespmem:$0x1FFE0] =	vst v4;
	v3 =	vsel vm9, $0xFFFFFFFF, v3  }
0xc1: {  	[tilespmem:$0x1FFF0] =	vst v3;
	v3 =	vld [tilespmem:$0x1FFE0];
	_ =	sdelay $0x3  }
0xc2: {  	v35 =	vadd.s32 v7, v5;
	vm14 =	vlt.f32 v10, $0.0e+00;
	vm8 =	vgt.f32 v10, $0.0e+00  }
0xc3: {  	(v2sf) =	vpush v7, $0x0;
	vm8 =	vmor vm8, vm14;
	vm14 =	vnez.u8 v3  }
0xc4: {  	(v2sf) =	vpush v35, $0x0;
	v37 =	vmpcnt.ones.xlane vm11;
	v3 =	vmpcnt.ones.xlane vm14  }
0xc5: {  	vm10 =	vlt.f32 v33, $0.0e+00;
	vm15 =	vgt.f32 v33, $0.0e+00;
	v36 =	vmpcnt.ones.xlane vm13  }
0xc6: {  	vm10 =	vmor vm15, vm10;
	v38 =	vmpcnt.ones.xlane vm12;
	v3 =	vadd.s32 v35, v3  }
0xc7: {  	v39 =	vmpcnt.ones.xlane vm9;
	v5 =	vadd.s32 v3, v36;
	(v2sf) =	vpush v3, $0x0  }
0xc8: {  	vm15 =	vmmov vm2;
	v3 =	vadd.s32 v5, v37;
	(v2sf) =	vpush v5, $0x0  }
0xc9: {  	s13 =	spop (v2sf);
	v40 =	vadd.s32 v3, v38;
	(v2sf) =	vpush v3, $0x0;
	v3 =	vmpcnt.ones.xlane vm10  }
0xca: {  	s14 =	spop (v2sf);
	v41 =	vmpcnt.ones.xlane vm8;
	(v2sf) =	vpush v40, $0x0;
	v4 =	vadd.s32 v40, v39  }
0xcb: {  	s15 =	sadd.s32 $0x10, s10;
	v44 =	vld.msk [tilespmem:s14+$0x12C00], vm15;
	v3 =	vadd.s32 v4, v3;
	(v2sf) =	vpush v4, $0x0  }
0xcc: {  	v43 =	vor.u32 s15, v0;
	s14 =	sadd.s32 $0x20, s10;
	v42 =	vadd.s32 v3, v41;
	(v2sf) =	vpush v3, $0x0;
	v3 =	vld.msk [tilespmem:s13+$0x12C00], vm3  }
0xcd: {  	s15 =	sadd.s32 $0x30, s10;
	vm2 =	vmmov vm1;
	v45 =	vor.u32 s14, v0;
	s13 =	spop (v2sf)  }
0xce: {  	s11 =	sadd.s32 $0x40, s11;
	v47 =	vor.u32 s15, v0;
	vm1 =	vmmov vm4;
	vm9 =	vmmov vm5;
	v46 =	vld.msk [tilespmem:s13+$0x12C00], vm2;
	s14 =	spop (v2sf)  }
0xcf: {  	vm6 =	vmmov vm6;
	v49 =	vor.u32 s11, v0;
	s15 =	sadd.s32 $0x10, s11;
	vm5 =	vmmov vm9;
	s10 =	spop (v2sf);
	v11 =	vld.msk [tilespmem:s14+$0x12C00], vm1  }
0xd0: {  	vm4 =	vmmov vm6;
	[tilespmem:v1+s19+$0x0] =	vst.idx.msk vm0, v2;
	v1 =	vor.u32 s15, v0;
	(v2sf) =	vpush v42, $0x0;
	s14 =	sadd.s32 $0x20, s11;
	s13 =	spop (v2sf);
	v2 =	vld.msk [tilespmem:s10+$0x12C00], vm5  }
0xd1: {  	v50 =	vld.msk [tilespmem:s13+$0x12C00], vm4;
	[tilespmem:v43+s19+$0x0] =	vst.idx.msk vm3, v3;
	v3 =	vor.u32 s14, v0  }
0xd2: {  	[tilespmem:v45+s19+$0x0] =	vst.idx.msk vm15, v44  }
0xd3: {  	[tilespmem:v47+s19+$0x0] =	vst.idx.msk vm2, v46  }
0xd4: {  	[tilespmem:v49+s19+$0x0] =	vst.idx.msk vm1, v11  }
0xd5: {  	v48 =	vld [tilespmem:s12+$0x10];
	[tilespmem:v1+s19+$0x0] =	vst.idx.msk vm5, v2  }
0xd6: {  	vm7 =	vmmov vm7;
	vm6 =	vmmov vm13;
	s10 =	spop (v2sf);
	[tilespmem:v3+s19+$0x0] =	vst.idx.msk vm4, v50  }
0xd7: {  	vm13 =	vmmov vm11;
	vm9 =	vmmov vm12;
	s15 =	sadd.s32 $0x30, s11;
	s11 =	sadd.s32 $0x40, s11;
	vm3 =	vmmov vm7;
	s13 =	spop (v2sf);
	v3 =	vld [tilespmem:$0x1FFF0]  }
0xd8: {  	vm11 =	vmmov vm9;
	v51 =	vor.u32 s15, v0;
	vm0 =	vmmov vm14;
	s14 =	sadd.s32 $0x10, s11;
	v52 =	vld.msk [tilespmem:s10+$0x12C00], vm3;
	s15 =	spop (v2sf)  }
0xd9: {  	v53 =	vor.u32 s11, v0;
	v54 =	vld.msk [tilespmem:s13+$0x12C00], vm0;
	vm2 =	vmmov vm6;
	v55 =	vor.u32 s14, v0;
	s14 =	spop (v2sf)  }
0xda: {  	vm14 =	vlt.f32 v48, $0.0e+00;
	vm15 =	vgt.f32 v48, $0.0e+00;
	s13 =	sadd.s32 $0x20, s11;
	vm1 =	vmmov vm13;
	v56 =	vld.msk [tilespmem:s15+$0x12C00], vm2;
	s12 =	spop (v2sf)  }
0xdb: {  	vm6 =	vmor vm15, vm14;
	vm13 =	vmmov vm10;
	v1 =	vor.u32 s13, v0;
	s15 =	sadd.s32 $0x30, s11;
	s11 =	sadd.s32 $0x40, s11;
	v2 =	vld.msk [tilespmem:s14+$0x12C00], vm1;
	s13 =	spop (v2sf)  }
0xdc: {  	vm7 =	vmmov vm13;
	s14 =	sadd.s32 $0x10, s11;
	v57 =	vld.msk [tilespmem:s12+$0x12C00], vm11;
	vm12 =	vnez.u8 v3;
	v3 =	vor.u32 s15, v0;
	s15 =	spop (v2sf)  }
0xdd: {  	vm14 =	vmmov vm8;
	[tilespmem:v51+s19+$0x0] =	vst.idx.msk vm3, v52;
	v60 =	vor.u32 s14, v0;
	vm4 =	vmmov vm12;
	v61 =	vld.msk [tilespmem:s15+$0x12C00], vm7  }
0xde: {  	vm15 =	vmmov vm6;
	[tilespmem:v53+s19+$0x0] =	vst.idx.msk vm0, v54;
	vm3 =	vmmov vm14;
	v58 =	vor.u32 s11, v0;
	s14 =	spop (v2sf);
	v59 =	vld.msk [tilespmem:s13+$0x12C00], vm4;
	s13 =	sadd.s32 $0x20, s11  }
0xdf: {  	vm0 =	vmmov vm15;
	[tilespmem:v55+s19+$0x0] =	vst.idx.msk vm2, v56;
	s11 =	sadd.s32 $0x30, s11;
	v63 =	vld.msk [tilespmem:s14+$0x12C00], vm3;
	s15 =	spop (v2sf);
	v62 =	vor.u32 s13, v0  }
0xe0: {  	[tilespmem:v1+s19+$0x0] =	vst.idx.msk vm1, v2;
	v1 =	vor.u32 s11, v0;
	v2 =	vld.msk [tilespmem:s15+$0x12C00], vm0  }
0xe1: {  	[tilespmem:v3+s19+$0x0] =	vst.idx.msk vm9, v57  }
0xe2: {  	[tilespmem:v60+s19+$0x0] =	vst.idx.msk vm7, v61  }
0xe3: {  	s8 =	smul.u32 $0x640, s8;
	[tilespmem:v58+s19+$0x0] =	vst.idx.msk vm4, v59  }
0xe4: {  	[tilespmem:v62+s19+$0x0] =	vst.idx.msk vm3, v63  }
0xe5: {  	s8 =	sadd.s32 s4, s8;
	[tilespmem:v1+s19+$0x0] =	vst.idx.msk vm0, v2  }
0xe6: {  	[hbm4b:s8+s5] =	stream.linear.scatter [tilespmem:s19], [sflag:$0x7], $0x3200, $0x38;
	[tilespmem:$0x1CE00] =	vst v63  }
.LBB2_10:
0xe7: {  	s8 =	sadd.s32 $0x1, s21  }
0xe8: {  	p1 =	sge.u32 s8, s9  }
.Ltmp9:
0xe9: {  	_ = 	snop;
	(pc) =	sbr.rel @p1 .LBB2_14-.Ltmp9, $1  }
0xea: {  	_ =	sdelay $0x3  }
0xeb: {  	_ =	swait.ge [sflag:s25], $0x3200  }
0xec: {  	[sflag:s25] =	ssyncset.done $0x0  }
0xed: {  	[sflag:s25] =	ssyncadd.s32 $0xFFFFCE00  }
0xee: {  	_ =	swait.ge [sflag:s25], $0x3208  }
0xef: {  	[sflag:s25] =	ssyncset.done $0x0  }
0xf0: {  	[sflag:s25] =	ssyncadd.s32 $0xFFFFCDF8  }
0xf1: {  	s10 =	sadd.s32 $0x3, s21;
	_ =	swait.ge [sflag:s26], $0x3200  }
0xf2: {  	p1 =	sge.u32 s10, s9;
	[sflag:s26] =	ssyncset.done $0x0  }
0xf3: {  	s11 =	simm.s32 @!p1 $0x7;
	[sflag:s26] =	ssyncadd.s32 $0xFFFFCE00  }
0xf4: {  	_ =	swait.ge @!p1 [sflag:s11], $0x3200  }
0xf5: {  	[sflag:s11] =	ssyncset.done @!p1 $0x0  }
0xf6: {  	[sflag:s11] =	ssyncadd.s32 @!p1 $0xFFFFCE00  }
0xf7: {  	v1 =	vld @!p1 [tilespmem:s10+$0x1CD80];
	_ =	sdelay $0x4  }
0xf8: {  	(v2sf) =	vpush @!p1 v1, $0x0;
	_ =	sdelay $0x9  }
0xf9: {  	s10 =	sadd.s32 @!p1 s7, s10  }
0xfa: {  	s10 =	smul.u32 @!p1 $0x640, s10;
	_ =	sdelay $0x1  }
0xfb: {  	s13 =	simm.s32 @!p1 $0x0;
	s12 =	sadd.s32 @!p1 s6, s10  }
0xfc: {  	[tilespmem:s13], [sflag:$0x1] =	stream.linear.gather @!p1 [hbm4b:s12+s13], $0x3200, $0x38;
	[tilespmem:$0x1CE00] =	vst v63  }
0xfd: {  	s11 =	spop @!p1 (v2sf)  }
0xfe: {  	s11 =	sand.u32 @!p1 $0xFFFFFFF8, s11  }
0xff: {  	p2 =	slt.s32 @!p1 s11, $0x1E815F8  }
0x100: {  	p2 =	por !p2, p1  }
0x101: {  	s11 =	simm.s32 @p2 $0x1E815F8  }
0x102: {  	s11 =	sshrl.u32 @!p1 s11, $0x3  }
0x103: {  	s12 =	simm.s32 @!p1 $0x12C00;
	s11 =	sadd.s32 @!p1 s3, s11  }
0x104: {  	[tilespmem:s12], [sflag:$0x1] =	stream.linear.gather @!p1 [hbm4b:s11+s13], $0x3208, $0x38;
	[tilespmem:$0x1CE00] =	vst v63  }
0x105: {  	s10 =	sadd.s32 @!p1 s1, s10;
	s11 =	simm.s32 @!p1 $0x9600  }
0x106: {  	[tilespmem:s11], [sflag:$0x4] =	stream.linear.gather @!p1 [hbm4b:s10+s13], $0x3200, $0x38;
	[tilespmem:$0x1CE00] =	vst v63  }
0x107: {  	v1 =	vld [tilespmem:s8+$0x1CD80];
	_ =	sdelay $0x4  }
0x108: {  	(v2sf) =	vpush v1, $0x0;
	_ =	sdelay $0xe  }
0x109: {  	s13 =	simm.s32 $0x3220;
	s12 =	spop (v2sf)  }
0x10a: {  	v2 =	vld [tilespmem:s13+$0x0];
	s11 =	sand.u32 $0xFFFFFFF8, s12  }
0x10b: {  	v3 =	vld [tilespmem:s13+$0xFFFFFFE0];
	p1 =	slt.s32 s11, $0x1E815F8  }
0x10c: {  	v5 =	vld [tilespmem:s13+$0xFFFFFFF0];
	s11 =	simm.s32 @!p1 $0x1E815F8  }
0x10d: {  	s10 =	ssub.s32 s12, s11  }
0x10e: {  	v1 =	vld [tilespmem:s13+$0x10];
	v4 =	vmov s10  }
0x10f: {  	(v2sf) =	vpush v4, $0x0  }
0x110: {  	vm1 =	vlt.f32 v3, $0.0e+00;
	vm2 =	vgt.f32 v3, $0.0e+00;
	vm3 =	vlt.f32 v2, $0.0e+00  }
0x111: {  	vm4 =	vgt.f32 v5, $0.0e+00;
	vm1 =	vmor vm2, vm1;
	vm2 =	vlt.f32 v5, $0.0e+00  }
0x112: {  	v3 =	vmpcnt.ones.xlane vm1;
	vm2 =	vmor vm4, vm2;
	vm4 =	vgt.f32 v2, $0.0e+00  }
0x113: {  	s14 =	simm.s32 $0x3260;
	v2 =	vmpcnt.ones.xlane vm2;
	vm4 =	vmor vm4, vm3;
	vm0 =	vlt.f32 v1, $0.0e+00  }
0x114: {  	v7 =	vld [tilespmem:s14+$0xFFFFFFE0];
	vm3 =	vgt.f32 v1, $0.0e+00;
	v1 =	vadd.s32 v4, v3;
	v3 =	vmpcnt.ones.xlane vm4  }
0x115: {  	v2 =	vadd.s32 v1, v2;
	(v2sf) =	vpush v1, $0x0  }
0x116: {  	v1 =	vadd.s32 v2, v3;
	(v2sf) =	vpush v2, $0x0;
	v2 =	vld [tilespmem:s14+$0xFFFFFFF0]  }
0x117: {  	vm5 =	vmor vm3, vm0;
	vm0 =	vmmov vm1  }
0x118: {  	v5 =	vld [tilespmem:s14+$0x10];
	vm3 =	vmmov vm2;
	vm2 =	vmmov vm4;
	v6 =	vmpcnt.ones.xlane vm5  }
0x119: {  	vm1 =	vmmov vm5;
	vm5 =	vgt.f32 v7, $0.0e+00;
	v4 =	vld [tilespmem:s14+$0x0];
	vm4 =	vlt.f32 v7, $0.0e+00  }
0x11a: {  	vm4 =	vmor vm5, vm4;
	v6 =	vadd.s32 v1, v6;
	(v2sf) =	vpush v1, $0x0  }
0x11b: {  	(v2sf) =	vpush v6, $0x0;
	vm5 =	vlt.f32 v2, $0.0e+00;
	vm8 =	vgt.f32 v2, $0.0e+00  }
0x11c: {  	v7 =	vmpcnt.ones.xlane vm4;
	vm5 =	vmor vm8, vm5  }
0x11d: {  	vm7 =	vlt.f32 v5, $0.0e+00;
	s10 =	simm.s32 $0x0;
	v8 =	vmpcnt.ones.xlane vm5  }
0x11e: {  	v1 =	vor.u32 s10, v0;
	v6 =	vadd.s32 v6, v7;
	vm6 =	vlt.f32 v4, $0.0e+00;
	s15 =	spop (v2sf)  }
0x11f: {  	vm8 =	vgt.f32 v4, $0.0e+00;
	v8 =	vadd.s32 v6, v8;
	(v2sf) =	vpush v6, $0x0;
	v2 =	vld.msk [tilespmem:s15+$0x15E80], vm0  }
0x120: {  	s12 =	simm.s32 $0x32A0;
	vm6 =	vmor vm8, vm6;
	vm8 =	vgt.f32 v5, $0.0e+00;
	(v2sf) =	vpush v8, $0x0  }
0x121: {  	v3 =	vld [tilespmem:s12+$0x10];
	v7 =	vmpcnt.ones.xlane vm6;
	vm7 =	vmor vm8, vm7  }
0x122: {  	v4 =	vld [tilespmem:s12+$0x0];
	v5 =	vmpcnt.ones.xlane vm7  }
0x123: {  	s8 =	sadd.s32 s7, s8;
	s13 =	simm.s32 $0xC;
	vm3 =	vmmov vm3;
	s11 =	simm.s32 $0x0;
	v7 =	vadd.s32 v8, v7;
	v6 =	vld [tilespmem:s12+$0xFFFFFFE0]  }
.LBB2_12:
0x124: {  	v5 =	vadd.s32 v7, v5;
	(v2sf) =	vpush v7, $0x0;
	[tilespmem:v1+s22+$0x0] =	vst.idx.msk vm0, v2;
	vm0 =	vmmov vm4  }
0x125: {  	s13 =	sadd.s32 $0x4, s13;
	v8 =	vld [tilespmem:s12+$0xFFFFFFF0];
	vm8 =	vmmov vm5;
	vm9 =	vmmov vm2;
	vm2 =	vmmov vm6  }
0x126: {  	s14 =	sadd.s32 $0x10, s10;
	s11 =	sadd.s32 $0x40, s11;
	vm10 =	vmmov vm1;
	vm1 =	vmmov vm7;
	p1 =	slt.u32 s13, $0x31C;
	(v2sf) =	vpush v5, $0x0  }
0x127: {  	v1 =	vor.u32 s11, v0;
	v7 =	vor.u32 s14, v0;
	s14 =	sadd.s32 $0x20, s10;
	s10 =	sadd.s32 $0x30, s10;
	s15 =	spop (v2sf)  }
0x128: {  	vm7 =	vlt.f32 v3, $0.0e+00;
	v10 =	vor.u32 s14, v0;
	v11 =	vor.u32 s10, v0;
	s10 =	smov.u32 s11;
	v9 =	vld.msk [tilespmem:s15+$0x15E80], vm3;
	s14 =	spop (v2sf)  }
0x129: {  	vm6 =	vlt.f32 v4, $0.0e+00;
	vm4 =	vlt.f32 v6, $0.0e+00;
	vm5 =	vgt.f32 v6, $0.0e+00;
	v6 =	vld.msk [tilespmem:s14+$0x15E80], vm9;
	s14 =	spop (v2sf)  }
0x12a: {  	vm4 =	vmor vm5, vm4;
	vm5 =	vlt.f32 v8, $0.0e+00;
	vm11 =	vgt.f32 v8, $0.0e+00;
	s15 =	spop (v2sf);
	v8 =	vld.msk [tilespmem:s14+$0x15E80], vm10  }
.Ltmp10:
0x12b: {  	v12 =	vmpcnt.ones.xlane vm4;
	vm5 =	vmor vm11, vm5;
	vm11 =	vgt.f32 v4, $0.0e+00;
	v2 =	vld.msk [tilespmem:s15+$0x15E80], vm0;
	(pc) =	sbr.rel @p1 .LBB2_12-.Ltmp10, $4  }
0x12c: {  	s12 =	sadd.s32 $0x40, s12;
	v13 =	vmpcnt.ones.xlane vm5;
	vm6 =	vmor vm11, vm6;
	vm11 =	vgt.f32 v3, $0.0e+00  }
0x12d: {  	v3 =	vld [tilespmem:s12+$0x10];
	v12 =	vadd.s32 v5, v12;
	v14 =	vmpcnt.ones.xlane vm6;
	vm7 =	vmor vm11, vm7;
	[tilespmem:v7+s22+$0x0] =	vst.idx.msk vm3, v9  }
0x12e: {  	v4 =	vld [tilespmem:s12+$0x0];
	v9 =	vadd.s32 v12, v13;
	v5 =	vmpcnt.ones.xlane vm7;
	(v2sf) =	vpush v12, $0x0;
	[tilespmem:v10+s22+$0x0] =	vst.idx.msk vm9, v6  }
0x12f: {  	vm3 =	vmmov vm8;
	v6 =	vld [tilespmem:s12+$0xFFFFFFE0];
	v7 =	vadd.s32 v9, v14;
	(v2sf) =	vpush v9, $0x0;
	[tilespmem:v11+s22+$0x0] =	vst.idx.msk vm10, v8  }
0x130: {  	v8 =	vld [tilespmem:s12+$0xFFFFFFF0]  }
0x131: {  	s12 =	sadd.s32 $0x40, s12  }
0x132: {  	v9 =	vld [tilespmem:s12+$0xFFFFFFE0]  }
0x133: {  	v34 =	vimm.s32 $0x0;
	vm8 =	vlt.f32 v3, $0.0e+00;
	vm11 =	vlt.f32 v4, $0.0e+00  }
0x134: {  	vm15 =	vgt.f32 v4, $0.0e+00;
	vm9 =	vlt.f32 v6, $0.0e+00;
	vm10 =	vgt.f32 v6, $0.0e+00  }
0x135: {  	vm12 =	vlt.f32 v8, $0.0e+00;
	vm13 =	vgt.f32 v8, $0.0e+00;
	vm9 =	vmor vm10, vm9  }
0x136: {  	vm11 =	vmor vm15, vm11;
	v4 =	vsel vm9, $0xFFFFFFFF, v34;
	vm13 =	vmor vm13, vm12  }
0x137: {  	vm9 =	vgt.f32 v3, $0.0e+00;
	vm10 =	vlt.f32 v9, $0.0e+00;
	vm15 =	vgt.f32 v9, $0.0e+00  }
0x138: {  	v10 =	vld [tilespmem:s12+$0x0];
	v3 =	vimm.s32 $0x0;
	vm12 =	vmor vm9, vm8;
	vm9 =	vmor vm15, vm10  }
0x139: {  	v33 =	vld [tilespmem:s12+$0xFFFFFFF0];
	[tilespmem:$0x1FFC0] =	vst v4;
	v3 =	vsel vm9, $0xFFFFFFFF, v3  }
0x13a: {  	[tilespmem:$0x1FFD0] =	vst v3;
	v3 =	vld [tilespmem:$0x1FFC0];
	_ =	sdelay $0x3  }
0x13b: {  	v35 =	vadd.s32 v7, v5;
	vm14 =	vlt.f32 v10, $0.0e+00;
	vm8 =	vgt.f32 v10, $0.0e+00  }
0x13c: {  	(v2sf) =	vpush v7, $0x0;
	vm8 =	vmor vm8, vm14;
	vm14 =	vnez.u8 v3  }
0x13d: {  	(v2sf) =	vpush v35, $0x0;
	v37 =	vmpcnt.ones.xlane vm11;
	v3 =	vmpcnt.ones.xlane vm14  }
0x13e: {  	vm10 =	vlt.f32 v33, $0.0e+00;
	vm15 =	vgt.f32 v33, $0.0e+00;
	v36 =	vmpcnt.ones.xlane vm13  }
0x13f: {  	vm10 =	vmor vm15, vm10;
	v38 =	vmpcnt.ones.xlane vm12;
	v3 =	vadd.s32 v35, v3  }
0x140: {  	v39 =	vmpcnt.ones.xlane vm9;
	v5 =	vadd.s32 v3, v36;
	(v2sf) =	vpush v3, $0x0  }
0x141: {  	vm15 =	vmmov vm2;
	v3 =	vadd.s32 v5, v37;
	(v2sf) =	vpush v5, $0x0  }
0x142: {  	s13 =	spop (v2sf);
	v40 =	vadd.s32 v3, v38;
	(v2sf) =	vpush v3, $0x0;
	v3 =	vmpcnt.ones.xlane vm10  }
0x143: {  	s14 =	spop (v2sf);
	v41 =	vmpcnt.ones.xlane vm8;
	(v2sf) =	vpush v40, $0x0;
	v4 =	vadd.s32 v40, v39  }
0x144: {  	s15 =	sadd.s32 $0x10, s10;
	v44 =	vld.msk [tilespmem:s14+$0x15E80], vm15;
	v3 =	vadd.s32 v4, v3;
	(v2sf) =	vpush v4, $0x0  }
0x145: {  	v43 =	vor.u32 s15, v0;
	s14 =	sadd.s32 $0x20, s10;
	v42 =	vadd.s32 v3, v41;
	(v2sf) =	vpush v3, $0x0;
	v3 =	vld.msk [tilespmem:s13+$0x15E80], vm3  }
0x146: {  	s15 =	sadd.s32 $0x30, s10;
	vm2 =	vmmov vm1;
	v45 =	vor.u32 s14, v0;
	s13 =	spop (v2sf)  }
0x147: {  	s11 =	sadd.s32 $0x40, s11;
	v47 =	vor.u32 s15, v0;
	vm1 =	vmmov vm4;
	vm9 =	vmmov vm5;
	v46 =	vld.msk [tilespmem:s13+$0x15E80], vm2;
	s14 =	spop (v2sf)  }
0x148: {  	vm6 =	vmmov vm6;
	v49 =	vor.u32 s11, v0;
	s15 =	sadd.s32 $0x10, s11;
	vm5 =	vmmov vm9;
	s10 =	spop (v2sf);
	v11 =	vld.msk [tilespmem:s14+$0x15E80], vm1  }
0x149: {  	vm4 =	vmmov vm6;
	[tilespmem:v1+s22+$0x0] =	vst.idx.msk vm0, v2;
	v1 =	vor.u32 s15, v0;
	(v2sf) =	vpush v42, $0x0;
	s14 =	sadd.s32 $0x20, s11;
	s13 =	spop (v2sf);
	v2 =	vld.msk [tilespmem:s10+$0x15E80], vm5  }
0x14a: {  	v50 =	vld.msk [tilespmem:s13+$0x15E80], vm4;
	[tilespmem:v43+s22+$0x0] =	vst.idx.msk vm3, v3;
	v3 =	vor.u32 s14, v0  }
0x14b: {  	[tilespmem:v45+s22+$0x0] =	vst.idx.msk vm15, v44  }
0x14c: {  	[tilespmem:v47+s22+$0x0] =	vst.idx.msk vm2, v46  }
0x14d: {  	[tilespmem:v49+s22+$0x0] =	vst.idx.msk vm1, v11  }
0x14e: {  	v48 =	vld [tilespmem:s12+$0x10];
	[tilespmem:v1+s22+$0x0] =	vst.idx.msk vm5, v2  }
0x14f: {  	vm7 =	vmmov vm7;
	vm6 =	vmmov vm13;
	s10 =	spop (v2sf);
	[tilespmem:v3+s22+$0x0] =	vst.idx.msk vm4, v50  }
0x150: {  	vm13 =	vmmov vm11;
	vm9 =	vmmov vm12;
	s15 =	sadd.s32 $0x30, s11;
	s11 =	sadd.s32 $0x40, s11;
	vm3 =	vmmov vm7;
	s13 =	spop (v2sf);
	v3 =	vld [tilespmem:$0x1FFD0]  }
0x151: {  	vm11 =	vmmov vm9;
	v51 =	vor.u32 s15, v0;
	vm0 =	vmmov vm14;
	s14 =	sadd.s32 $0x10, s11;
	v52 =	vld.msk [tilespmem:s10+$0x15E80], vm3;
	s15 =	spop (v2sf)  }
0x152: {  	v53 =	vor.u32 s11, v0;
	v54 =	vld.msk [tilespmem:s13+$0x15E80], vm0;
	vm2 =	vmmov vm6;
	v55 =	vor.u32 s14, v0;
	s14 =	spop (v2sf)  }
0x153: {  	vm14 =	vlt.f32 v48, $0.0e+00;
	vm15 =	vgt.f32 v48, $0.0e+00;
	s13 =	sadd.s32 $0x20, s11;
	vm1 =	vmmov vm13;
	v56 =	vld.msk [tilespmem:s15+$0x15E80], vm2;
	s12 =	spop (v2sf)  }
0x154: {  	vm6 =	vmor vm15, vm14;
	vm13 =	vmmov vm10;
	v1 =	vor.u32 s13, v0;
	s15 =	sadd.s32 $0x30, s11;
	s11 =	sadd.s32 $0x40, s11;
	v2 =	vld.msk [tilespmem:s14+$0x15E80], vm1;
	s13 =	spop (v2sf)  }
0x155: {  	vm7 =	vmmov vm13;
	s14 =	sadd.s32 $0x10, s11;
	v57 =	vld.msk [tilespmem:s12+$0x15E80], vm11;
	vm12 =	vnez.u8 v3;
	v3 =	vor.u32 s15, v0;
	s15 =	spop (v2sf)  }
0x156: {  	vm14 =	vmmov vm8;
	[tilespmem:v51+s22+$0x0] =	vst.idx.msk vm3, v52;
	v60 =	vor.u32 s14, v0;
	vm4 =	vmmov vm12;
	v61 =	vld.msk [tilespmem:s15+$0x15E80], vm7  }
0x157: {  	vm15 =	vmmov vm6;
	[tilespmem:v53+s22+$0x0] =	vst.idx.msk vm0, v54;
	vm3 =	vmmov vm14;
	v58 =	vor.u32 s11, v0;
	s14 =	spop (v2sf);
	v59 =	vld.msk [tilespmem:s13+$0x15E80], vm4;
	s13 =	sadd.s32 $0x20, s11  }
0x158: {  	vm0 =	vmmov vm15;
	[tilespmem:v55+s22+$0x0] =	vst.idx.msk vm2, v56;
	s11 =	sadd.s32 $0x30, s11;
	v63 =	vld.msk [tilespmem:s14+$0x15E80], vm3;
	s15 =	spop (v2sf);
	v62 =	vor.u32 s13, v0  }
0x159: {  	[tilespmem:v1+s22+$0x0] =	vst.idx.msk vm1, v2;
	v1 =	vor.u32 s11, v0;
	v2 =	vld.msk [tilespmem:s15+$0x15E80], vm0  }
0x15a: {  	[tilespmem:v3+s22+$0x0] =	vst.idx.msk vm9, v57  }
0x15b: {  	[tilespmem:v60+s22+$0x0] =	vst.idx.msk vm7, v61  }
0x15c: {  	s8 =	smul.u32 $0x640, s8;
	[tilespmem:v58+s22+$0x0] =	vst.idx.msk vm4, v59  }
0x15d: {  	[tilespmem:v62+s22+$0x0] =	vst.idx.msk vm3, v63  }
0x15e: {  	s8 =	sadd.s32 s4, s8;
	[tilespmem:v1+s22+$0x0] =	vst.idx.msk vm0, v2  }
0x15f: {  	[hbm4b:s8+s5] =	stream.linear.scatter [tilespmem:s22], [sflag:$0x8], $0x3200, $0x38;
	[tilespmem:$0x1CE00] =	vst v63  }
.LBB2_14:
0x160: {  	s8 =	sadd.s32 $0x2, s21  }
0x161: {  	p1 =	sge.u32 s8, s9  }
.Ltmp11:
0x162: {  	_ = 	snop;
	(pc) =	sbr.rel @p1 .LBB2_18-.Ltmp11, $1  }
0x163: {  	_ =	sdelay $0x3  }
0x164: {  	_ =	swait.ge [sflag:s28], $0x3200  }
0x165: {  	[sflag:s28] =	ssyncset.done $0x0  }
0x166: {  	[sflag:s28] =	ssyncadd.s32 $0xFFFFCE00  }
0x167: {  	_ =	swait.ge [sflag:s28], $0x3208  }
0x168: {  	[sflag:s28] =	ssyncset.done $0x0  }
0x169: {  	[sflag:s28] =	ssyncadd.s32 $0xFFFFCDF8  }
0x16a: {  	s10 =	sadd.s32 $0x4, s21;
	_ =	swait.ge [sflag:s29], $0x3200  }
0x16b: {  	p1 =	sge.u32 s10, s9;
	[sflag:s29] =	ssyncset.done $0x0  }
0x16c: {  	s11 =	simm.s32 @!p1 $0x8;
	[sflag:s29] =	ssyncadd.s32 $0xFFFFCE00  }
0x16d: {  	_ =	swait.ge @!p1 [sflag:s11], $0x3200  }
0x16e: {  	[sflag:s11] =	ssyncset.done @!p1 $0x0  }
0x16f: {  	[sflag:s11] =	ssyncadd.s32 @!p1 $0xFFFFCE00  }
0x170: {  	v1 =	vld @!p1 [tilespmem:s10+$0x1CD80];
	_ =	sdelay $0x4  }
0x171: {  	(v2sf) =	vpush @!p1 v1, $0x0;
	_ =	sdelay $0x9  }
0x172: {  	s10 =	sadd.s32 @!p1 s7, s10  }
0x173: {  	s10 =	smul.u32 @!p1 $0x640, s10;
	_ =	sdelay $0x1  }
0x174: {  	s13 =	simm.s32 @!p1 $0x0;
	s14 =	simm.s32 @!p1 $0x3200;
	s12 =	sadd.s32 @!p1 s6, s10  }
0x175: {  	[tilespmem:s14], [sflag:$0x2] =	stream.linear.gather @!p1 [hbm4b:s12+s13], $0x3200, $0x38;
	[tilespmem:$0x1CE00] =	vst v63  }
0x176: {  	s11 =	spop @!p1 (v2sf)  }
0x177: {  	s11 =	sand.u32 @!p1 $0xFFFFFFF8, s11  }
0x178: {  	p2 =	slt.s32 @!p1 s11, $0x1E815F8  }
0x179: {  	p2 =	por !p2, p1  }
0x17a: {  	s11 =	simm.s32 @p2 $0x1E815F8  }
0x17b: {  	s11 =	sshrl.u32 @!p1 s11, $0x3  }
0x17c: {  	s12 =	simm.s32 @!p1 $0x15E80;
	s11 =	sadd.s32 @!p1 s3, s11  }
0x17d: {  	[tilespmem:s12], [sflag:$0x2] =	stream.linear.gather @!p1 [hbm4b:s11+s13], $0x3208, $0x38;
	[tilespmem:$0x1CE00] =	vst v63  }
0x17e: {  	s10 =	sadd.s32 @!p1 s1, s10;
	s11 =	simm.s32 @!p1 $0xC800  }
0x17f: {  	[tilespmem:s11], [sflag:$0x5] =	stream.linear.gather @!p1 [hbm4b:s10+s13], $0x3200, $0x38;
	[tilespmem:$0x1CE00] =	vst v63  }
0x180: {  	v1 =	vld [tilespmem:s8+$0x1CD80];
	_ =	sdelay $0x4  }
0x181: {  	(v2sf) =	vpush v1, $0x0;
	_ =	sdelay $0xe  }
0x182: {  	s14 =	simm.s32 $0x6420;
	s13 =	spop (v2sf)  }
0x183: {  	v2 =	vld [tilespmem:s14+$0x0];
	s11 =	sand.u32 $0xFFFFFFF8, s13  }
0x184: {  	v3 =	vld [tilespmem:s14+$0xFFFFFFE0];
	p1 =	slt.s32 s11, $0x1E815F8  }
0x185: {  	v5 =	vld [tilespmem:s14+$0xFFFFFFF0];
	s11 =	simm.s32 @!p1 $0x1E815F8  }
0x186: {  	s10 =	ssub.s32 s13, s11  }
0x187: {  	v1 =	vld [tilespmem:s14+$0x10];
	v4 =	vmov s10  }
0x188: {  	(v2sf) =	vpush v4, $0x0  }
0x189: {  	vm1 =	vlt.f32 v3, $0.0e+00;
	vm2 =	vgt.f32 v3, $0.0e+00;
	vm3 =	vlt.f32 v2, $0.0e+00  }
0x18a: {  	vm4 =	vgt.f32 v5, $0.0e+00;
	vm1 =	vmor vm2, vm1;
	vm2 =	vlt.f32 v5, $0.0e+00  }
0x18b: {  	v3 =	vmpcnt.ones.xlane vm1;
	vm2 =	vmor vm4, vm2;
	vm4 =	vgt.f32 v2, $0.0e+00  }
0x18c: {  	s15 =	simm.s32 $0x6460;
	v2 =	vmpcnt.ones.xlane vm2;
	vm4 =	vmor vm4, vm3;
	vm0 =	vlt.f32 v1, $0.0e+00  }
0x18d: {  	v7 =	vld [tilespmem:s15+$0xFFFFFFE0];
	vm3 =	vgt.f32 v1, $0.0e+00;
	v1 =	vadd.s32 v4, v3;
	v3 =	vmpcnt.ones.xlane vm4  }
0x18e: {  	v2 =	vadd.s32 v1, v2;
	(v2sf) =	vpush v1, $0x0  }
0x18f: {  	v1 =	vadd.s32 v2, v3;
	(v2sf) =	vpush v2, $0x0;
	v2 =	vld [tilespmem:s15+$0xFFFFFFF0]  }
0x190: {  	vm5 =	vmor vm3, vm0;
	vm0 =	vmmov vm1  }
0x191: {  	v5 =	vld [tilespmem:s15+$0x10];
	vm3 =	vmmov vm2;
	vm2 =	vmmov vm4;
	v6 =	vmpcnt.ones.xlane vm5  }
0x192: {  	vm1 =	vmmov vm5;
	vm5 =	vgt.f32 v7, $0.0e+00;
	v4 =	vld [tilespmem:s15+$0x0];
	vm4 =	vlt.f32 v7, $0.0e+00  }
0x193: {  	vm4 =	vmor vm5, vm4;
	v6 =	vadd.s32 v1, v6;
	(v2sf) =	vpush v1, $0x0  }
0x194: {  	(v2sf) =	vpush v6, $0x0;
	vm5 =	vlt.f32 v2, $0.0e+00;
	vm8 =	vgt.f32 v2, $0.0e+00  }
0x195: {  	v7 =	vmpcnt.ones.xlane vm4;
	vm5 =	vmor vm8, vm5  }
0x196: {  	vm7 =	vlt.f32 v5, $0.0e+00;
	s10 =	simm.s32 $0x0;
	v8 =	vmpcnt.ones.xlane vm5  }
0x197: {  	v1 =	vor.u32 s10, v0;
	v6 =	vadd.s32 v6, v7;
	vm6 =	vlt.f32 v4, $0.0e+00;
	s21 =	spop (v2sf)  }
0x198: {  	vm8 =	vgt.f32 v4, $0.0e+00;
	v8 =	vadd.s32 v6, v8;
	(v2sf) =	vpush v6, $0x0;
	v2 =	vld.msk [tilespmem:s21+$0x19100], vm0  }
0x199: {  	s12 =	simm.s32 $0x64A0;
	vm6 =	vmor vm8, vm6;
	vm8 =	vgt.f32 v5, $0.0e+00;
	(v2sf) =	vpush v8, $0x0  }
0x19a: {  	v3 =	vld [tilespmem:s12+$0x10];
	v7 =	vmpcnt.ones.xlane vm6;
	vm7 =	vmor vm8, vm7  }
0x19b: {  	v4 =	vld [tilespmem:s12+$0x0];
	v5 =	vmpcnt.ones.xlane vm7  }
0x19c: {  	s8 =	sadd.s32 s7, s8;
	vm3 =	vmmov vm3;
	s13 =	simm.s32 $0xC;
	s11 =	simm.s32 $0x0;
	v7 =	vadd.s32 v8, v7;
	v6 =	vld [tilespmem:s12+$0xFFFFFFE0]  }
.LBB2_16:
0x19d: {  	v5 =	vadd.s32 v7, v5;
	(v2sf) =	vpush v7, $0x0;
	[tilespmem:v1+s30+$0x0] =	vst.idx.msk vm0, v2;
	vm0 =	vmmov vm4  }
0x19e: {  	s13 =	sadd.s32 $0x4, s13;
	v8 =	vld [tilespmem:s12+$0xFFFFFFF0];
	vm8 =	vmmov vm5;
	vm9 =	vmmov vm2;
	vm2 =	vmmov vm6  }
0x19f: {  	s14 =	sadd.s32 $0x10, s10;
	s11 =	sadd.s32 $0x40, s11;
	vm10 =	vmmov vm1;
	vm1 =	vmmov vm7;
	p1 =	slt.u32 s13, $0x31C;
	(v2sf) =	vpush v5, $0x0  }
0x1a0: {  	v1 =	vor.u32 s11, v0;
	v7 =	vor.u32 s14, v0;
	s14 =	sadd.s32 $0x20, s10;
	s10 =	sadd.s32 $0x30, s10;
	s15 =	spop (v2sf)  }
0x1a1: {  	vm7 =	vlt.f32 v3, $0.0e+00;
	v10 =	vor.u32 s14, v0;
	v11 =	vor.u32 s10, v0;
	s10 =	smov.u32 s11;
	v9 =	vld.msk [tilespmem:s15+$0x19100], vm3;
	s14 =	spop (v2sf)  }
0x1a2: {  	vm6 =	vlt.f32 v4, $0.0e+00;
	vm4 =	vlt.f32 v6, $0.0e+00;
	vm5 =	vgt.f32 v6, $0.0e+00;
	v6 =	vld.msk [tilespmem:s14+$0x19100], vm9;
	s14 =	spop (v2sf)  }
0x1a3: {  	vm4 =	vmor vm5, vm4;
	vm5 =	vlt.f32 v8, $0.0e+00;
	vm11 =	vgt.f32 v8, $0.0e+00;
	s15 =	spop (v2sf);
	v8 =	vld.msk [tilespmem:s14+$0x19100], vm10  }
.Ltmp12:
0x1a4: {  	v12 =	vmpcnt.ones.xlane vm4;
	vm5 =	vmor vm11, vm5;
	vm11 =	vgt.f32 v4, $0.0e+00;
	v2 =	vld.msk [tilespmem:s15+$0x19100], vm0;
	(pc) =	sbr.rel @p1 .LBB2_16-.Ltmp12, $4  }
0x1a5: {  	s12 =	sadd.s32 $0x40, s12;
	v13 =	vmpcnt.ones.xlane vm5;
	vm6 =	vmor vm11, vm6;
	vm11 =	vgt.f32 v3, $0.0e+00  }
0x1a6: {  	v3 =	vld [tilespmem:s12+$0x10];
	v12 =	vadd.s32 v5, v12;
	v14 =	vmpcnt.ones.xlane vm6;
	vm7 =	vmor vm11, vm7;
	[tilespmem:v7+s30+$0x0] =	vst.idx.msk vm3, v9  }
0x1a7: {  	v4 =	vld [tilespmem:s12+$0x0];
	v9 =	vadd.s32 v12, v13;
	v5 =	vmpcnt.ones.xlane vm7;
	(v2sf) =	vpush v12, $0x0;
	[tilespmem:v10+s30+$0x0] =	vst.idx.msk vm9, v6  }
0x1a8: {  	vm3 =	vmmov vm8;
	v6 =	vld [tilespmem:s12+$0xFFFFFFE0];
	v7 =	vadd.s32 v9, v14;
	(v2sf) =	vpush v9, $0x0;
	[tilespmem:v11+s30+$0x0] =	vst.idx.msk vm10, v8  }
0x1a9: {  	v8 =	vld [tilespmem:s12+$0xFFFFFFF0]  }
0x1aa: {  	s12 =	sadd.s32 $0x40, s12  }
0x1ab: {  	v9 =	vld [tilespmem:s12+$0xFFFFFFE0]  }
0x1ac: {  	v34 =	vimm.s32 $0x0;
	vm8 =	vlt.f32 v3, $0.0e+00;
	vm11 =	vlt.f32 v4, $0.0e+00  }
0x1ad: {  	vm15 =	vgt.f32 v4, $0.0e+00;
	vm9 =	vlt.f32 v6, $0.0e+00;
	vm10 =	vgt.f32 v6, $0.0e+00  }
0x1ae: {  	vm12 =	vlt.f32 v8, $0.0e+00;
	vm13 =	vgt.f32 v8, $0.0e+00;
	vm9 =	vmor vm10, vm9  }
0x1af: {  	vm11 =	vmor vm15, vm11;
	v4 =	vsel vm9, $0xFFFFFFFF, v34;
	vm13 =	vmor vm13, vm12  }
0x1b0: {  	vm9 =	vgt.f32 v3, $0.0e+00;
	vm10 =	vlt.f32 v9, $0.0e+00;
	vm15 =	vgt.f32 v9, $0.0e+00  }
0x1b1: {  	v10 =	vld [tilespmem:s12+$0x0];
	v3 =	vimm.s32 $0x0;
	vm12 =	vmor vm9, vm8;
	vm9 =	vmor vm15, vm10  }
0x1b2: {  	v33 =	vld [tilespmem:s12+$0xFFFFFFF0];
	[tilespmem:$0x1FFA0] =	vst v4;
	v3 =	vsel vm9, $0xFFFFFFFF, v3  }
0x1b3: {  	[tilespmem:$0x1FFB0] =	vst v3;
	v3 =	vld [tilespmem:$0x1FFA0];
	_ =	sdelay $0x3  }
0x1b4: {  	v35 =	vadd.s32 v7, v5;
	vm14 =	vlt.f32 v10, $0.0e+00;
	vm8 =	vgt.f32 v10, $0.0e+00  }
0x1b5: {  	(v2sf) =	vpush v7, $0x0;
	vm8 =	vmor vm8, vm14;
	vm14 =	vnez.u8 v3  }
0x1b6: {  	(v2sf) =	vpush v35, $0x0;
	v3 =	vmpcnt.ones.xlane vm14  }
0x1b7: {  	vm10 =	vlt.f32 v33, $0.0e+00;
	vm15 =	vgt.f32 v33, $0.0e+00;
	v36 =	vmpcnt.ones.xlane vm13  }
0x1b8: {  	v37 =	vmpcnt.ones.xlane vm11;
	vm10 =	vmor vm15, vm10;
	v3 =	vadd.s32 v35, v3  }
0x1b9: {  	v38 =	vmpcnt.ones.xlane vm12;
	v5 =	vadd.s32 v3, v36;
	(v2sf) =	vpush v3, $0x0  }
0x1ba: {  	v39 =	vmpcnt.ones.xlane vm9;
	v3 =	vadd.s32 v5, v37;
	(v2sf) =	vpush v5, $0x0  }
0x1bb: {  	v40 =	vadd.s32 v3, v38;
	(v2sf) =	vpush v3, $0x0;
	v3 =	vmpcnt.ones.xlane vm10  }
0x1bc: {  	s21 =	sadd.s32 $0x10, s10;
	v41 =	vmpcnt.ones.xlane vm8;
	(v2sf) =	vpush v40, $0x0;
	v4 =	vadd.s32 v40, v39  }
0x1bd: {  	s13 =	spop (v2sf);
	v43 =	vor.u32 s21, v0;
	v3 =	vadd.s32 v4, v3;
	(v2sf) =	vpush v4, $0x0  }
0x1be: {  	s15 =	sadd.s32 $0x20, s10;
	s14 =	spop (v2sf);
	vm15 =	vmmov vm2;
	v42 =	vadd.s32 v3, v41;
	(v2sf) =	vpush v3, $0x0;
	v3 =	vld.msk [tilespmem:s13+$0x19100], vm3  }
0x1bf: {  	vm6 =	vmmov vm6;
	s21 =	sadd.s32 $0x30, s10;
	v45 =	vor.u32 s15, v0;
	vm2 =	vmmov vm1;
	v44 =	vld.msk [tilespmem:s14+$0x19100], vm15;
	s13 =	spop (v2sf)  }
0x1c0: {  	s11 =	sadd.s32 $0x40, s11;
	v47 =	vor.u32 s21, v0;
	vm1 =	vmmov vm4;
	vm9 =	vmmov vm5;
	v46 =	vld.msk [tilespmem:s13+$0x19100], vm2;
	s14 =	spop (v2sf)  }
0x1c1: {  	v49 =	vor.u32 s11, v0;
	s21 =	sadd.s32 $0x10, s11;
	vm5 =	vmmov vm9;
	(v2sf) =	vpush v42, $0x0;
	s15 =	spop (v2sf);
	v11 =	vld.msk [tilespmem:s14+$0x19100], vm1  }
0x1c2: {  	vm4 =	vmmov vm6;
	[tilespmem:v1+s30+$0x0] =	vst.idx.msk vm0, v2;
	v1 =	vor.u32 s21, v0;
	s14 =	sadd.s32 $0x20, s11;
	s13 =	spop (v2sf);
	v2 =	vld.msk [tilespmem:s15+$0x19100], vm5  }
0x1c3: {  	v50 =	vld.msk [tilespmem:s13+$0x19100], vm4;
	[tilespmem:v43+s30+$0x0] =	vst.idx.msk vm3, v3;
	v3 =	vor.u32 s14, v0  }
0x1c4: {  	[tilespmem:v45+s30+$0x0] =	vst.idx.msk vm15, v44  }
0x1c5: {  	vm7 =	vmmov vm7;
	[tilespmem:v47+s30+$0x0] =	vst.idx.msk vm2, v46  }
0x1c6: {  	v48 =	vld [tilespmem:s12+$0x10];
	s15 =	spop (v2sf);
	vm3 =	vmmov vm7;
	[tilespmem:v49+s30+$0x0] =	vst.idx.msk vm1, v11  }
0x1c7: {  	vm0 =	vmmov vm14;
	s13 =	spop (v2sf);
	v52 =	vld.msk [tilespmem:s15+$0x19100], vm3;
	[tilespmem:v1+s30+$0x0] =	vst.idx.msk vm5, v2  }
0x1c8: {  	vm6 =	vmmov vm13;
	vm13 =	vmmov vm11;
	s21 =	sadd.s32 $0x30, s11;
	s11 =	sadd.s32 $0x40, s11;
	v54 =	vld.msk [tilespmem:s13+$0x19100], vm0;
	s15 =	spop (v2sf);
	[tilespmem:v3+s30+$0x0] =	vst.idx.msk vm4, v50  }
0x1c9: {  	vm9 =	vmmov vm12;
	v51 =	vor.u32 s21, v0;
	s14 =	sadd.s32 $0x10, s11;
	vm2 =	vmmov vm6;
	s13 =	spop (v2sf);
	v3 =	vld [tilespmem:$0x1FFB0]  }
0x1ca: {  	vm11 =	vmmov vm9;
	v53 =	vor.u32 s11, v0;
	s21 =	sadd.s32 $0x20, s11;
	v55 =	vor.u32 s14, v0;
	v56 =	vld.msk [tilespmem:s15+$0x19100], vm2;
	s15 =	spop (v2sf)  }
0x1cb: {  	s14 =	sadd.s32 $0x30, s11;
	s11 =	sadd.s32 $0x40, s11;
	vm1 =	vmmov vm13;
	vm13 =	vmmov vm10;
	v1 =	vor.u32 s21, v0;
	s21 =	spop (v2sf)  }
0x1cc: {  	vm14 =	vlt.f32 v48, $0.0e+00;
	vm15 =	vgt.f32 v48, $0.0e+00;
	s12 =	sadd.s32 $0x10, s11;
	vm7 =	vmmov vm13;
	v2 =	vld.msk [tilespmem:s13+$0x19100], vm1;
	s13 =	spop (v2sf)  }
0x1cd: {  	vm6 =	vmor vm15, vm14;
	vm14 =	vmmov vm8;
	v60 =	vor.u32 s12, v0;
	v61 =	vld.msk [tilespmem:s13+$0x19100], vm7  }
0x1ce: {  	[tilespmem:v51+s30+$0x0] =	vst.idx.msk vm3, v52;
	vm3 =	vmmov vm14;
	v57 =	vld.msk [tilespmem:s15+$0x19100], vm11;
	s15 =	spop (v2sf);
	vm12 =	vnez.u8 v3;
	v3 =	vor.u32 s14, v0;
	s14 =	sadd.s32 $0x20, s11  }
0x1cf: {  	vm15 =	vmmov vm6;
	[tilespmem:v53+s30+$0x0] =	vst.idx.msk vm0, v54;
	v63 =	vld.msk [tilespmem:s15+$0x19100], vm3;
	vm4 =	vmmov vm12;
	v62 =	vor.u32 s14, v0  }
0x1d0: {  	v58 =	vor.u32 s11, v0;
	vm0 =	vmmov vm15;
	[tilespmem:v55+s30+$0x0] =	vst.idx.msk vm2, v56;
	s11 =	sadd.s32 $0x30, s11;
	v59 =	vld.msk [tilespmem:s21+$0x19100], vm4;
	s21 =	spop (v2sf)  }
0x1d1: {  	[tilespmem:v1+s30+$0x0] =	vst.idx.msk vm1, v2;
	v1 =	vor.u32 s11, v0;
	v2 =	vld.msk [tilespmem:s21+$0x19100], vm0  }
0x1d2: {  	[tilespmem:v60+s30+$0x0] =	vst.idx.msk vm7, v61  }
.Ltmp13:
0x1d3: {  	[tilespmem:v3+s30+$0x0] =	vst.idx.msk vm9, v57;
	(pc) =	sbr.rel .LBB2_18-.Ltmp13, $4  }
0x1d4: {  	s8 =	smul.u32 $0x640, s8;
	[tilespmem:v62+s30+$0x0] =	vst.idx.msk vm3, v63  }
0x1d5: {  	[tilespmem:v58+s30+$0x0] =	vst.idx.msk vm4, v59  }
0x1d6: {  	s8 =	sadd.s32 s4, s8;
	[tilespmem:v1+s30+$0x0] =	vst.idx.msk vm0, v2  }
0x1d7: {  	[hbm4b:s8+s5] =	stream.linear.scatter [tilespmem:s30], [sflag:$0x9], $0x3200, $0x38;
	[tilespmem:$0x1CE00] =	vst v63  }
.LBB2_20:
0x1d8: {  	_ =	sfence.sel $0x180000  }
0x1d9: {  	[bflag:$0x0] =	sbarrier.arrive $0xFFFF  }
0x1da: {  	_ =	strace $0x9000004A  }
0x1db: {  	s0 =	stileid.u32;
	[bflag:$0x2] =	sbarrier.arrive $0xFFFF  }
0x1dc: {  	p0 =	sne.s32 s0, $0x0;
	s0 =	rddreg [dreg:$0x4]  }
0x1dd: {  	s0 =	sadd.s32 @!p0 $0x100000, s0  }
0x1de: {  	[sflag:s0] =	ssyncadd.tile.s32 @!p0 $0x1;
	_ =	shalt  }
.Lfunc_end2:
_tile_overlayer_lowered:
.L_overlay_start_2:
0x1df: {  	(tag) =	ssettag $0x2  }
0x1e0: {  	s0 =	rddreg [dreg:$0x0];
	s2 =	stileid.u32  }
0x1e1: {  	s1 =	rddreg [dreg:$0x1];
	p0 =	sne.s32 s2, $0x0  }
0x1e2: {  	s3 =	rddreg [dreg:$0x2];
	[bflag:$0x3] =	sbarrier.arrive $0xFFFF;
	s2 =	simm.s32 @!p0 $0x1C0A  }
0x1e3: {  	[timem:s3], [sflag:s2] =	dma.local @!p0 [hbm:s0], s1  }
0x1e4: {  	s0 =	simm.s32 @!p0 $0xA  }
0x1e5: {  	_ =	swait.ge @!p0 [sflag:s0], s1  }
0x1e6: {  	s1 =	ssub.s32 @!p0 $0x0, s1;
	[sflag:s0] =	ssyncset.done @!p0 $0x0  }
0x1e7: {  	[sflag:s0] =	ssyncadd.s32 @!p0 s1  }
0x1e8: {  	[bflag:$0x3] =	sbarrier.arrive $0xFFFF  }
0x1e9: {  	_ =	shalt  }

</sc_bundles>
